<compile_context>
chip_gen: v7x
topology: tpu7x:2x2x1
jax: 0.10.2.dev20260603
libtpu: 0.0.44.dev20260713+nightly
codegen_flags: <defaults>
</compile_context>

<pallas_src>
import functools

import jax
import jax.numpy as jnp
from jax import lax
from jax.experimental import pallas as pl
from jax.experimental.pallas import tpu as pltpu
from jax.experimental.pallas import tpu_sc as plsc

_CLASSES = 1000
_EPS = 1e-12
_BINS = 1024
_N = 16384
_ROWS_PER_BLOCK = 2048
_NUM_BLOCKS = _N // _ROWS_PER_BLOCK

_NUM_WORKERS = 32
_CHUNK = _N // _NUM_WORKERS
_ITERS = _CHUNK // 16


def _argmax_body(x_ref, out_ref):
    x = x_ref[...]
    m = jnp.max(x, axis=1, keepdims=True)
    col = lax.broadcasted_iota(jnp.int32, x.shape, 1)
    out_ref[...] = jnp.min(jnp.where(x == m, col, _CLASSES), axis=1)


@functools.cache
def _make_sc_hist():
    mesh = plsc.VectorSubcoreMesh(core_axis_name="c", subcore_axis_name="s")

    @functools.partial(
        pl.kernel,
        mesh=mesh,
        compiler_params=pltpu.CompilerParams(needs_layout_passes=False),
        out_type=jax.ShapeDtypeStruct((_NUM_WORKERS * 3 * _BINS,), jnp.float32),
        scratch_types=[
            pltpu.VMEM((_CHUNK,), jnp.int32),
            pltpu.VMEM((_CHUNK,), jnp.int32),
            pltpu.VMEM((_BINS,), jnp.float32),
            pltpu.VMEM((_BINS,), jnp.float32),
            pltpu.VMEM((_BINS,), jnp.float32),
        ],
    )
    def _sc_hist(preds_hbm, ytrue_hbm, out_hbm, p_v, t_v, h_true, h_pred, h_tp):
        wid = lax.axis_index("s") * 2 + lax.axis_index("c")
        base = wid * _CHUNK
        pltpu.sync_copy(preds_hbm.at[pl.ds(base, _CHUNK)], p_v)
        pltpu.sync_copy(ytrue_hbm.at[pl.ds(base, _CHUNK)], t_v)
        zeros = jnp.zeros((16,), jnp.float32)
        for j in range(_BINS // 16):
            s = pl.ds(j * 16, 16)
            h_true[s] = zeros
            h_pred[s] = zeros
            h_tp[s] = zeros
        ones = jnp.full((16,), 1.0, jnp.float32)
        for i in range(_ITERS):
            s = pl.ds(i * 16, 16)
            p = p_v[s]
            t = t_v[s]
            plsc.addupdate_scatter(h_pred, [p], ones)
            plsc.addupdate_scatter(h_true, [t], ones)
            plsc.addupdate_scatter(h_tp, [t], ones, mask=p == t)
        obase = wid * 3 * _BINS
        pltpu.sync_copy(h_true, out_hbm.at[pl.ds(obase, _BINS)])
        pltpu.sync_copy(h_pred, out_hbm.at[pl.ds(obase + _BINS, _BINS)])
        pltpu.sync_copy(h_tp, out_hbm.at[pl.ds(obase + 2 * _BINS, _BINS)])

    return _sc_hist


def _f1_body(h_ref, out_ref):
    hs = jnp.sum(h_ref[...], axis=0)
    ct = hs[0:1, :]
    cp = hs[1:2, :]
    tp = hs[2:3, :]
    sens = tp / (cp + _EPS)
    prec = tp / (ct + _EPS)
    f1 = 2.0 * (prec * sens) / (prec + sens + _EPS)
    out_ref[0, 0] = jnp.sum(f1) / _CLASSES


@jax.jit
def kernel(y_pred, y_true):
    preds = pl.pallas_call(
        _argmax_body,
        grid=(_NUM_BLOCKS,),
        in_specs=[pl.BlockSpec((_ROWS_PER_BLOCK, _CLASSES), lambda i: (i, 0))],
        out_specs=pl.BlockSpec((_ROWS_PER_BLOCK,), lambda i: (i,)),
        out_shape=jax.ShapeDtypeStruct((_N,), jnp.int32),
    )(y_pred)
    partials = _make_sc_hist()(preds, y_true).reshape(_NUM_WORKERS, 3, _BINS)
    res = pl.pallas_call(
        _f1_body,
        out_shape=jax.ShapeDtypeStruct((1, 1), jnp.float32),
        out_specs=pl.BlockSpec(memory_space=pltpu.SMEM),
    )(partials)
    return res[0, 0]

# --- scband reference (transcript-rebuilt; emitter-appended) ---
"""Pipeline reference for scband-f1-67379446940315 (READ-ONLY COPY).

The authoritative reference and input builder live on the scoring server;
editing this copy changes nothing except your own understanding.
"""

import jax, jax.numpy as jnp
import numpy as np

CLASSES = 1000
EPS = 1e-12


def setup_inputs(seed: int = 0) -> dict:
    key = jax.random.key(seed)
    k1, k2 = jax.random.split(key)
    y_pred = jax.random.normal(k1, (16384, CLASSES), dtype=jnp.float32)
    y_true = jax.random.randint(k2, (16384,), 0, CLASSES, dtype=jnp.int32)
    return {"y_pred": y_pred, "y_true": y_true}


def reference(y_pred, y_true):
    # confusion_matrix: rows indexed by true label, cols by predicted label
    preds = jnp.argmax(y_pred, axis=1)
    conf = jnp.zeros((CLASSES, CLASSES), dtype=jnp.float32)
    conf = conf.at[y_true, preds].add(1.0)
    TP = jnp.diagonal(conf)
    # FP in the original code: conf[c, idx].sum() over idx != c (row sum minus diag)
    FP = conf.sum(axis=1) - TP
    # FN in the original code: conf[idx, c].sum() over idx != c (col sum minus diag)
    FN = conf.sum(axis=0) - TP
    sensitivity = TP / (TP + FN + EPS)
    precision = TP / (TP + FP + EPS)
    f1_scores = 2.0 * (precision * sensitivity / (precision + sensitivity + EPS))
    return jnp.mean(f1_scores)

if __name__ == "__main__":
    import jax
    _d = setup_inputs()
    print(jax.jit(kernel)(*tuple(_d.values())))

</pallas_src>

<mosaic_0001>
#map = affine_map<(d0, d1) -> (0)>
module attributes {stable_mosaic.version = 14 : i64} {
  func.func @_sc_hist(%arg0: i32, %arg1: i32, %arg2: memref<16384xi32, #tpu.memory_space<hbm>>, %arg3: memref<16384xi32, #tpu.memory_space<hbm>>, %arg4: memref<98304xf32, #tpu.memory_space<hbm>>, %arg5: memref<512xi32, #tpu.memory_space<vmem>>, %arg6: memref<512xi32, #tpu.memory_space<vmem>>, %arg7: memref<1024xf32, #tpu.memory_space<vmem>>, %arg8: memref<1024xf32, #tpu.memory_space<vmem>>, %arg9: memref<1024xf32, #tpu.memory_space<vmem>>) attributes {dimension_semantics = [#tpu.dimension_semantics<core_parallel>, #tpu.dimension_semantics<subcore_parallel>], iteration_bounds = array<i64: 2, 16>, scalar_prefetch = 0 : i64, scratch_operands = 5 : i64, tpu.core_type = #tpu.core_type<sc_vector_subcore>, window_params = [{transform_indices = #map}, {transform_indices = #map}, {transform_indices = #map}]} {
    %mul3A = arith.constant 2 : i32
    %mul3A_0 = arith.muli %arg1, %mul3A : i32
    %add3A = arith.addi %mul3A_0, %arg0 : i32
    %mul3A_1 = arith.constant 512 : i32
    %mul3A_2 = arith.muli %add3A, %mul3A_1 : i32
    "tpu.region"() ({
      %run_scoped3A = tpu.sem_alloc : memref<!tpu.dma_semaphore, #tpu.memory_space<semaphore_mem>>
      %dma_start3A = tpu.memref_slice %arg2[%mul3A_2] : memref<16384xi32, #tpu.memory_space<hbm>> -> memref<512xi32, #tpu.memory_space<hbm>>
      %dma_start3A_555 = tpu.memref_slice %arg2[%mul3A_2] : memref<16384xi32, #tpu.memory_space<hbm>> -> memref<512xi32, #tpu.memory_space<hbm>>
      tpu.enqueue_dma source(%dma_start3A_555 : memref<512xi32, #tpu.memory_space<hbm>>) target(%arg5 : memref<512xi32, #tpu.memory_space<vmem>>) target_semaphore(%run_scoped3A : memref<!tpu.dma_semaphore, #tpu.memory_space<semaphore_mem>>)
      %dma_wait3A = tpu.memref_slice %arg2[%mul3A_2] : memref<16384xi32, #tpu.memory_space<hbm>> -> memref<512xi32, #tpu.memory_space<hbm>>
      %dma_wait3A_556 = tpu.memref_slice %arg2[%mul3A_2] : memref<16384xi32, #tpu.memory_space<hbm>> -> memref<512xi32, #tpu.memory_space<hbm>>
      tpu.wait_dma2 semaphore(%run_scoped3A : memref<!tpu.dma_semaphore, #tpu.memory_space<semaphore_mem>>) src(%dma_wait3A_556 : memref<512xi32, #tpu.memory_space<hbm>>) dst(%arg5 : memref<512xi32, #tpu.memory_space<vmem>>)
      tpu.yield
    }) : () -> ()
    "tpu.region"() ({
      %run_scoped3A = tpu.sem_alloc : memref<!tpu.dma_semaphore, #tpu.memory_space<semaphore_mem>>
      %dma_start3A = tpu.memref_slice %arg3[%mul3A_2] : memref<16384xi32, #tpu.memory_space<hbm>> -> memref<512xi32, #tpu.memory_space<hbm>>
      %dma_start3A_555 = tpu.memref_slice %arg3[%mul3A_2] : memref<16384xi32, #tpu.memory_space<hbm>> -> memref<512xi32, #tpu.memory_space<hbm>>
      tpu.enqueue_dma source(%dma_start3A_555 : memref<512xi32, #tpu.memory_space<hbm>>) target(%arg6 : memref<512xi32, #tpu.memory_space<vmem>>) target_semaphore(%run_scoped3A : memref<!tpu.dma_semaphore, #tpu.memory_space<semaphore_mem>>)
      %dma_wait3A = tpu.memref_slice %arg3[%mul3A_2] : memref<16384xi32, #tpu.memory_space<hbm>> -> memref<512xi32, #tpu.memory_space<hbm>>
      %dma_wait3A_556 = tpu.memref_slice %arg3[%mul3A_2] : memref<16384xi32, #tpu.memory_space<hbm>> -> memref<512xi32, #tpu.memory_space<hbm>>
      tpu.wait_dma2 semaphore(%run_scoped3A : memref<!tpu.dma_semaphore, #tpu.memory_space<semaphore_mem>>) src(%dma_wait3A_556 : memref<512xi32, #tpu.memory_space<hbm>>) dst(%arg6 : memref<512xi32, #tpu.memory_space<vmem>>)
      tpu.yield
    }) : () -> ()
    %broadcast_in_dim3A = arith.constant 0.000000e+00 : f32
    %broadcast_in_dim3A_3 = vector.broadcast %broadcast_in_dim3A : f32 to vector<16xf32>
    %swap3A = arith.constant 0 : index
    %swap3A_4 = tpu.vector_load %arg7[%swap3A] {strides = array<i32>} : memref<1024xf32, #tpu.memory_space<vmem>>, vector<16xf32>,
    tpu.vector_store %arg7[%swap3A], %broadcast_in_dim3A_3 {strides = array<i32>} : memref<1024xf32, #tpu.memory_space<vmem>>, vector<16xf32>,
    %swap3A_5 = arith.constant 0 : index
    %swap3A_6 = tpu.vector_load %arg8[%swap3A_5] {strides = array<i32>} : memref<1024xf32, #tpu.memory_space<vmem>>, vector<16xf32>,
    tpu.vector_store %arg8[%swap3A_5], %broadcast_in_dim3A_3 {strides = array<i32>} : memref<1024xf32, #tpu.memory_space<vmem>>, vector<16xf32>,
    %swap3A_7 = arith.constant 0 : index
    %swap3A_8 = tpu.vector_load %arg9[%swap3A_7] {strides = array<i32>} : memref<1024xf32, #tpu.memory_space<vmem>>, vector<16xf32>,
    tpu.vector_store %arg9[%swap3A_7], %broadcast_in_dim3A_3 {strides = array<i32>} : memref<1024xf32, #tpu.memory_space<vmem>>, vector<16xf32>,
    %swap3A_9 = arith.constant 16 : index
    %swap3A_10 = tpu.vector_load %arg7[%swap3A_9] {strides = array<i32>} : memref<1024xf32, #tpu.memory_space<vmem>>, vector<16xf32>,
    tpu.vector_store %arg7[%swap3A_9], %broadcast_in_dim3A_3 {strides = array<i32>} : memref<1024xf32, #tpu.memory_space<vmem>>, vector<16xf32>,
    %swap3A_11 = arith.constant 16 : index
    %swap3A_12 = tpu.vector_load %arg8[%swap3A_11] {strides = array<i32>} : memref<1024xf32, #tpu.memory_space<vmem>>, vector<16xf32>,
    tpu.vector_store %arg8[%swap3A_11], %broadcast_in_dim3A_3 {strides = array<i32>} : memref<1024xf32, #tpu.memory_space<vmem>>, vector<16xf32>,
    %swap3A_13 = arith.constant 16 : index
    %swap3A_14 = tpu.vector_load %arg9[%swap3A_13] {strides = array<i32>} : memref<1024xf32, #tpu.memory_space<vmem>>, vector<16xf32>,
    tpu.vector_store %arg9[%swap3A_13], %broadcast_in_dim3A_3 {strides = array<i32>} : memref<1024xf32, #tpu.memory_space<vmem>>, vector<16xf32>,
    %swap3A_15 = arith.constant 32 : index
    %swap3A_16 = tpu.vector_load %arg7[%swap3A_15] {strides = array<i32>} : memref<1024xf32, #tpu.memory_space<vmem>>, vector<16xf32>,
    tpu.vector_store %arg7[%swap3A_15], %broadcast_in_dim3A_3 {strides = array<i32>} : memref<1024xf32, #tpu.memory_space<vmem>>, vector<16xf32>,
    %swap3A_17 = arith.constant 32 : index
    %swap3A_18 = tpu.vector_load %arg8[%swap3A_17] {strides = array<i32>} : memref<1024xf32, #tpu.memory_space<vmem>>, vector<16xf32>,
    tpu.vector_store %arg8[%swap3A_17], %broadcast_in_dim3A_3 {strides = array<i32>} : memref<1024xf32, #tpu.memory_space<vmem>>, vector<16xf32>,
    %swap3A_19 = arith.constant 32 : index
    %swap3A_20 = tpu.vector_load %arg9[%swap3A_19] {strides = array<i32>} : memref<1024xf32, #tpu.memory_space<vmem>>, vector<16xf32>,
    tpu.vector_store %arg9[%swap3A_19], %broadcast_in_dim3A_3 {strides = array<i32>} : memref<1024xf32, #tpu.memory_space<vmem>>, vector<16xf32>,
    %swap3A_21 = arith.constant 48 : index
    %swap3A_22 = tpu.vector_load %arg7[%swap3A_21] {strides = array<i32>} : memref<1024xf32, #tpu.memory_space<vmem>>, vector<16xf32>,
    tpu.vector_store %arg7[%swap3A_21], %broadcast_in_dim3A_3 {strides = array<i32>} : memref<1024xf32, #tpu.memory_space<vmem>>, vector<16xf32>,
    %swap3A_23 = arith.constant 48 : index
    %swap3A_24 = tpu.vector_load %arg8[%swap3A_23] {strides = array<i32>} : memref<1024xf32, #tpu.memory_space<vmem>>, vector<16xf32>,
    tpu.vector_store %arg8[%swap3A_23], %broadcast_in_dim3A_3 {strides = array<i32>} : memref<1024xf32, #tpu.memory_space<vmem>>, vector<16xf32>,
    %swap3A_25 = arith.constant 48 : index
    %swap3A_26 = tpu.vector_load %arg9[%swap3A_25] {strides = array<i32>} : memref<1024xf32, #tpu.memory_space<vmem>>, vector<16xf32>,
    tpu.vector_store %arg9[%swap3A_25], %broadcast_in_dim3A_3 {strides = array<i32>} : memref<1024xf32, #tpu.memory_space<vmem>>, vector<16xf32>,
    %swap3A_27 = arith.constant 64 : index
    %swap3A_28 = tpu.vector_load %arg7[%swap3A_27] {strides = array<i32>} : memref<1024xf32, #tpu.memory_space<vmem>>, vector<16xf32>,
    tpu.vector_store %arg7[%swap3A_27], %broadcast_in_dim3A_3 {strides = array<i32>} : memref<1024xf32, #tpu.memory_space<vmem>>, vector<16xf32>,
    %swap3A_29 = arith.constant 64 : index
    %swap3A_30 = tpu.vector_load %arg8[%swap3A_29] {strides = array<i32>} : memref<1024xf32, #tpu.memory_space<vmem>>, vector<16xf32>,
    tpu.vector_store %arg8[%swap3A_29], %broadcast_in_dim3A_3 {strides = array<i32>} : memref<1024xf32, #tpu.memory_space<vmem>>, vector<16xf32>,
    %swap3A_31 = arith.constant 64 : index
    %swap3A_32 = tpu.vector_load %arg9[%swap3A_31] {strides = array<i32>} : memref<1024xf32, #tpu.memory_space<vmem>>, vector<16xf32>,
    tpu.vector_store %arg9[%swap3A_31], %broadcast_in_dim3A_3 {strides = array<i32>} : memref<1024xf32, #tpu.memory_space<vmem>>, vector<16xf32>,
    %swap3A_33 = arith.constant 80 : index
    %swap3A_34 = tpu.vector_load %arg7[%swap3A_33] {strides = array<i32>} : memref<1024xf32, #tpu.memory_space<vmem>>, vector<16xf32>,
    tpu.vector_store %arg7[%swap3A_33], %broadcast_in_dim3A_3 {strides = array<i32>} : memref<1024xf32, #tpu.memory_space<vmem>>, vector<16xf32>,
    %swap3A_35 = arith.constant 80 : index
    %swap3A_36 = tpu.vector_load %arg8[%swap3A_35] {strides = array<i32>} : memref<1024xf32, #tpu.memory_space<vmem>>, vector<16xf32>,
    tpu.vector_store %arg8[%swap3A_35], %broadcast_in_dim3A_3 {strides = array<i32>} : memref<1024xf32, #tpu.memory_space<vmem>>, vector<16xf32>,
    %swap3A_37 = arith.constant 80 : index
    %swap3A_38 = tpu.vector_load %arg9[%swap3A_37] {strides = array<i32>} : memref<1024xf32, #tpu.memory_space<vmem>>, vector<16xf32>,
    tpu.vector_store %arg9[%swap3A_37], %broadcast_in_dim3A_3 {strides = array<i32>} : memref<1024xf32, #tpu.memory_space<vmem>>, vector<16xf32>,
    %swap3A_39 = arith.constant 96 : index
    %swap3A_40 = tpu.vector_load %arg7[%swap3A_39] {strides = array<i32>} : memref<1024xf32, #tpu.memory_space<vmem>>, vector<16xf32>,
    tpu.vector_store %arg7[%swap3A_39], %broadcast_in_dim3A_3 {strides = array<i32>} : memref<1024xf32, #tpu.memory_space<vmem>>, vector<16xf32>,
    %swap3A_41 = arith.constant 96 : index
    %swap3A_42 = tpu.vector_load %arg8[%swap3A_41] {strides = array<i32>} : memref<1024xf32, #tpu.memory_space<vmem>>, vector<16xf32>,
    tpu.vector_store %arg8[%swap3A_41], %broadcast_in_dim3A_3 {strides = array<i32>} : memref<1024xf32, #tpu.memory_space<vmem>>, vector<16xf32>,
    %swap3A_43 = arith.constant 96 : index
    %swap3A_44 = tpu.vector_load %arg9[%swap3A_43] {strides = array<i32>} : memref<1024xf32, #tpu.memory_space<vmem>>, vector<16xf32>,
    tpu.vector_store %arg9[%swap3A_43], %broadcast_in_dim3A_3 {strides = array<i32>} : memref<1024xf32, #tpu.memory_space<vmem>>, vector<16xf32>,
    %swap3A_45 = arith.constant 112 : index
    %swap3A_46 = tpu.vector_load %arg7[%swap3A_45] {strides = array<i32>} : memref<1024xf32, #tpu.memory_space<vmem>>, vector<16xf32>,
    tpu.vector_store %arg7[%swap3A_45], %broadcast_in_dim3A_3 {strides = array<i32>} : memref<1024xf32, #tpu.memory_space<vmem>>, vector<16xf32>,
    %swap3A_47 = arith.constant 112 : index
    %swap3A_48 = tpu.vector_load %arg8[%swap3A_47] {strides = array<i32>} : memref<1024xf32, #tpu.memory_space<vmem>>, vector<16xf32>,
    tpu.vector_store %arg8[%swap3A_47], %broadcast_in_dim3A_3 {strides = array<i32>} : memref<1024xf32, #tpu.memory_space<vmem>>, vector<16xf32>,
    %swap3A_49 = arith.constant 112 : index
    %swap3A_50 = tpu.vector_load %arg9[%swap3A_49] {strides = array<i32>} : memref<1024xf32, #tpu.memory_space<vmem>>, vector<16xf32>,
    tpu.vector_store %arg9[%swap3A_49], %broadcast_in_dim3A_3 {strides = array<i32>} : memref<1024xf32, #tpu.memory_space<vmem>>, vector<16xf32>,
    %swap3A_51 = arith.constant 128 : index
    %swap3A_52 = tpu.vector_load %arg7[%swap3A_51] {strides = array<i32>} : memref<1024xf32, #tpu.memory_space<vmem>>, vector<16xf32>,
    tpu.vector_store %arg7[%swap3A_51], %broadcast_in_dim3A_3 {strides = array<i32>} : memref<1024xf32, #tpu.memory_space<vmem>>, vector<16xf32>,
    %swap3A_53 = arith.constant 128 : index
    %swap3A_54 = tpu.vector_load %arg8[%swap3A_53] {strides = array<i32>} : memref<1024xf32, #tpu.memory_space<vmem>>, vector<16xf32>,
    tpu.vector_store %arg8[%swap3A_53], %broadcast_in_dim3A_3 {strides = array<i32>} : memref<1024xf32, #tpu.memory_space<vmem>>, vector<16xf32>,
    %swap3A_55 = arith.constant 128 : index
    %swap3A_56 = tpu.vector_load %arg9[%swap3A_55] {strides = array<i32>} : memref<1024xf32, #tpu.memory_space<vmem>>, vector<16xf32>,
    tpu.vector_store %arg9[%swap3A_55], %broadcast_in_dim3A_3 {strides = array<i32>} : memref<1024xf32, #tpu.memory_space<vmem>>, vector<16xf32>,
    %swap3A_57 = arith.constant 144 : index
    %swap3A_58 = tpu.vector_load %arg7[%swap3A_57] {strides = array<i32>} : memref<1024xf32, #tpu.memory_space<vmem>>, vector<16xf32>,
    tpu.vector_store %arg7[%swap3A_57], %broadcast_in_dim3A_3 {strides = array<i32>} : memref<1024xf32, #tpu.memory_space<vmem>>, vector<16xf32>,
    %swap3A_59 = arith.constant 144 : index
    %swap3A_60 = tpu.vector_load %arg8[%swap3A_59] {strides = array<i32>} : memref<1024xf32, #tpu.memory_space<vmem>>, vector<16xf32>,
    tpu.vector_store %arg8[%swap3A_59], %broadcast_in_dim3A_3 {strides = array<i32>} : memref<1024xf32, #tpu.memory_space<vmem>>, vector<16xf32>,
    %swap3A_61 = arith.constant 144 : index
    %swap3A_62 = tpu.vector_load %arg9[%swap3A_61] {strides = array<i32>} : memref<1024xf32, #tpu.memory_space<vmem>>, vector<16xf32>,
    tpu.vector_store %arg9[%swap3A_61], %broadcast_in_dim3A_3 {strides = array<i32>} : memref<1024xf32, #tpu.memory_space<vmem>>, vector<16xf32>,
    %swap3A_63 = arith.constant 160 : index
    %swap3A_64 = tpu.vector_load %arg7[%swap3A_63] {strides = array<i32>} : memref<1024xf32, #tpu.memory_space<vmem>>, vector<16xf32>,
    tpu.vector_store %arg7[%swap3A_63], %broadcast_in_dim3A_3 {strides = array<i32>} : memref<1024xf32, #tpu.memory_space<vmem>>, vector<16xf32>,
    %swap3A_65 = arith.constant 160 : index
    %swap3A_66 = tpu.vector_load %arg8[%swap3A_65] {strides = array<i32>} : memref<1024xf32, #tpu.memory_space<vmem>>, vector<16xf32>,
    tpu.vector_store %arg8[%swap3A_65], %broadcast_in_dim3A_3 {strides = array<i32>} : memref<1024xf32, #tpu.memory_space<vmem>>, vector<16xf32>,
    %swap3A_67 = arith.constant 160 : index
    %swap3A_68 = tpu.vector_load %arg9[%swap3A_67] {strides = array<i32>} : memref<1024xf32, #tpu.memory_space<vmem>>, vector<16xf32>,
    tpu.vector_store %arg9[%swap3A_67], %broadcast_in_dim3A_3 {strides = array<i32>} : memref<1024xf32, #tpu.memory_space<vmem>>, vector<16xf32>,
    %swap3A_69 = arith.constant 176 : index
    %swap3A_70 = tpu.vector_load %arg7[%swap3A_69] {strides = array<i32>} : memref<1024xf32, #tpu.memory_space<vmem>>, vector<16xf32>,
    tpu.vector_store %arg7[%swap3A_69], %broadcast_in_dim3A_3 {strides = array<i32>} : memref<1024xf32, #tpu.memory_space<vmem>>, vector<16xf32>,
    %swap3A_71 = arith.constant 176 : index
    %swap3A_72 = tpu.vector_load %arg8[%swap3A_71] {strides = array<i32>} : memref<1024xf32, #tpu.memory_space<vmem>>, vector<16xf32>,
    tpu.vector_store %arg8[%swap3A_71], %broadcast_in_dim3A_3 {strides = array<i32>} : memref<1024xf32, #tpu.memory_space<vmem>>, vector<16xf32>,
    %swap3A_73 = arith.constant 176 : index
    %swap3A_74 = tpu.vector_load %arg9[%swap3A_73] {strides = array<i32>} : memref<1024xf32, #tpu.memory_space<vmem>>, vector<16xf32>,
    tpu.vector_store %arg9[%swap3A_73], %broadcast_in_dim3A_3 {strides = array<i32>} : memref<1024xf32, #tpu.memory_space<vmem>>, vector<16xf32>,
    %swap3A_75 = arith.constant 192 : index
    %swap3A_76 = tpu.vector_load %arg7[%swap3A_75] {strides = array<i32>} : memref<1024xf32, #tpu.memory_space<vmem>>, vector<16xf32>,
    tpu.vector_store %arg7[%swap3A_75], %broadcast_in_dim3A_3 {strides = array<i32>} : memref<1024xf32, #tpu.memory_space<vmem>>, vector<16xf32>,
    %swap3A_77 = arith.constant 192 : index
    %swap3A_78 = tpu.vector_load %arg8[%swap3A_77] {strides = array<i32>} : memref<1024xf32, #tpu.memory_space<vmem>>, vector<16xf32>,
    tpu.vector_store %arg8[%swap3A_77], %broadcast_in_dim3A_3 {strides = array<i32>} : memref<1024xf32, #tpu.memory_space<vmem>>, vector<16xf32>,
    %swap3A_79 = arith.constant 192 : index
    %swap3A_80 = tpu.vector_load %arg9[%swap3A_79] {strides = array<i32>} : memref<1024xf32, #tpu.memory_space<vmem>>, vector<16xf32>,
    tpu.vector_store %arg9[%swap3A_79], %broadcast_in_dim3A_3 {strides = array<i32>} : memref<1024xf32, #tpu.memory_space<vmem>>, vector<16xf32>,
    %swap3A_81 = arith.constant 208 : index
    %swap3A_82 = tpu.vector_load %arg7[%swap3A_81] {strides = array<i32>} : memref<1024xf32, #tpu.memory_space<vmem>>, vector<16xf32>,
    tpu.vector_store %arg7[%swap3A_81], %broadcast_in_dim3A_3 {strides = array<i32>} : memref<1024xf32, #tpu.memory_space<vmem>>, vector<16xf32>,
    %swap3A_83 = arith.constant 208 : index
    %swap3A_84 = tpu.vector_load %arg8[%swap3A_83] {strides = array<i32>} : memref<1024xf32, #tpu.memory_space<vmem>>, vector<16xf32>,
    tpu.vector_store %arg8[%swap3A_83], %broadcast_in_dim3A_3 {strides = array<i32>} : memref<1024xf32, #tpu.memory_space<vmem>>, vector<16xf32>,
    %swap3A_85 = arith.constant 208 : index
    %swap3A_86 = tpu.vector_load %arg9[%swap3A_85] {strides = array<i32>} : memref<1024xf32, #tpu.memory_space<vmem>>, vector<16xf32>,
    tpu.vector_store %arg9[%swap3A_85], %broadcast_in_dim3A_3 {strides = array<i32>} : memref<1024xf32, #tpu.memory_space<vmem>>, vector<16xf32>,
    %swap3A_87 = arith.constant 224 : index
    %swap3A_88 = tpu.vector_load %arg7[%swap3A_87] {strides = array<i32>} : memref<1024xf32, #tpu.memory_space<vmem>>, vector<16xf32>,
    tpu.vector_store %arg7[%swap3A_87], %broadcast_in_dim3A_3 {strides = array<i32>} : memref<1024xf32, #tpu.memory_space<vmem>>, vector<16xf32>,
    %swap3A_89 = arith.constant 224 : index
    %swap3A_90 = tpu.vector_load %arg8[%swap3A_89] {strides = array<i32>} : memref<1024xf32, #tpu.memory_space<vmem>>, vector<16xf32>,
    tpu.vector_store %arg8[%swap3A_89], %broadcast_in_dim3A_3 {strides = array<i32>} : memref<1024xf32, #tpu.memory_space<vmem>>, vector<16xf32>,
    %swap3A_91 = arith.constant 224 : index
    %swap3A_92 = tpu.vector_load %arg9[%swap3A_91] {strides = array<i32>} : memref<1024xf32, #tpu.memory_space<vmem>>, vector<16xf32>,
    tpu.vector_store %arg9[%swap3A_91], %broadcast_in_dim3A_3 {strides = array<i32>} : memref<1024xf32, #tpu.memory_space<vmem>>, vector<16xf32>,
    %swap3A_93 = arith.constant 240 : index
    %swap3A_94 = tpu.vector_load %arg7[%swap3A_93] {strides = array<i32>} : memref<1024xf32, #tpu.memory_space<vmem>>, vector<16xf32>,
    tpu.vector_store %arg7[%swap3A_93], %broadcast_in_dim3A_3 {strides = array<i32>} : memref<1024xf32, #tpu.memory_space<vmem>>, vector<16xf32>,
    %swap3A_95 = arith.constant 240 : index
    %swap3A_96 = tpu.vector_load %arg8[%swap3A_95] {strides = array<i32>} : memref<1024xf32, #tpu.memory_space<vmem>>, vector<16xf32>,
    tpu.vector_store %arg8[%swap3A_95], %broadcast_in_dim3A_3 {strides = array<i32>} : memref<1024xf32, #tpu.memory_space<vmem>>, vector<16xf32>,
    %swap3A_97 = arith.constant 240 : index
    %swap3A_98 = tpu.vector_load %arg9[%swap3A_97] {strides = array<i32>} : memref<1024xf32, #tpu.memory_space<vmem>>, vector<16xf32>,
    tpu.vector_store %arg9[%swap3A_97], %broadcast_in_dim3A_3 {strides = array<i32>} : memref<1024xf32, #tpu.memory_space<vmem>>, vector<16xf32>,
    %swap3A_99 = arith.constant 256 : index
    %swap3A_100 = tpu.vector_load %arg7[%swap3A_99] {strides = array<i32>} : memref<1024xf32, #tpu.memory_space<vmem>>, vector<16xf32>,
    tpu.vector_store %arg7[%swap3A_99], %broadcast_in_dim3A_3 {strides = array<i32>} : memref<1024xf32, #tpu.memory_space<vmem>>, vector<16xf32>,
    %swap3A_101 = arith.constant 256 : index
    %swap3A_102 = tpu.vector_load %arg8[%swap3A_101] {strides = array<i32>} : memref<1024xf32, #tpu.memory_space<vmem>>, vector<16xf32>,
    tpu.vector_store %arg8[%swap3A_101], %broadcast_in_dim3A_3 {strides = array<i32>} : memref<1024xf32, #tpu.memory_space<vmem>>, vector<16xf32>,
    %swap3A_103 = arith.constant 256 : index
    %swap3A_104 = tpu.vector_load %arg9[%swap3A_103] {strides = array<i32>} : memref<1024xf32, #tpu.memory_space<vmem>>, vector<16xf32>,
    tpu.vector_store %arg9[%swap3A_103], %broadcast_in_dim3A_3 {strides = array<i32>} : memref<1024xf32, #tpu.memory_space<vmem>>, vector<16xf32>,
    %swap3A_105 = arith.constant 272 : index
    %swap3A_106 = tpu.vector_load %arg7[%swap3A_105] {strides = array<i32>} : memref<1024xf32, #tpu.memory_space<vmem>>, vector<16xf32>,
    tpu.vector_store %arg7[%swap3A_105], %broadcast_in_dim3A_3 {strides = array<i32>} : memref<1024xf32, #tpu.memory_space<vmem>>, vector<16xf32>,
    %swap3A_107 = arith.constant 272 : index
    %swap3A_108 = tpu.vector_load %arg8[%swap3A_107] {strides = array<i32>} : memref<1024xf32, #tpu.memory_space<vmem>>, vector<16xf32>,
    tpu.vector_store %arg8[%swap3A_107], %broadcast_in_dim3A_3 {strides = array<i32>} : memref<1024xf32, #tpu.memory_space<vmem>>, vector<16xf32>,
    %swap3A_109 = arith.constant 272 : index
    %swap3A_110 = tpu.vector_load %arg9[%swap3A_109] {strides = array<i32>} : memref<1024xf32, #tpu.memory_space<vmem>>, vector<16xf32>,
    tpu.vector_store %arg9[%swap3A_109], %broadcast_in_dim3A_3 {strides = array<i32>} : memref<1024xf32, #tpu.memory_space<vmem>>, vector<16xf32>,
    %swap3A_111 = arith.constant 288 : index
    %swap3A_112 = tpu.vector_load %arg7[%swap3A_111] {strides = array<i32>} : memref<1024xf32, #tpu.memory_space<vmem>>, vector<16xf32>,
    tpu.vector_store %arg7[%swap3A_111], %broadcast_in_dim3A_3 {strides = array<i32>} : memref<1024xf32, #tpu.memory_space<vmem>>, vector<16xf32>,
    %swap3A_113 = arith.constant 288 : index
    %swap3A_114 = tpu.vector_load %arg8[%swap3A_113] {strides = array<i32>} : memref<1024xf32, #tpu.memory_space<vmem>>, vector<16xf32>,
    tpu.vector_store %arg8[%swap3A_113], %broadcast_in_dim3A_3 {strides = array<i32>} : memref<1024xf32, #tpu.memory_space<vmem>>, vector<16xf32>,
    %swap3A_115 = arith.constant 288 : index
    %swap3A_116 = tpu.vector_load %arg9[%swap3A_115] {strides = array<i32>} : memref<1024xf32, #tpu.memory_space<vmem>>, vector<16xf32>,
    tpu.vector_store %arg9[%swap3A_115], %broadcast_in_dim3A_3 {strides = array<i32>} : memref<1024xf32, #tpu.memory_space<vmem>>, vector<16xf32>,
    %swap3A_117 = arith.constant 304 : index
    %swap3A_118 = tpu.vector_load %arg7[%swap3A_117] {strides = array<i32>} : memref<1024xf32, #tpu.memory_space<vmem>>, vector<16xf32>,
    tpu.vector_store %arg7[%swap3A_117], %broadcast_in_dim3A_3 {strides = array<i32>} : memref<1024xf32, #tpu.memory_space<vmem>>, vector<16xf32>,
    %swap3A_119 = arith.constant 304 : index
    %swap3A_120 = tpu.vector_load %arg8[%swap3A_119] {strides = array<i32>} : memref<1024xf32, #tpu.memory_space<vmem>>, vector<16xf32>,
    tpu.vector_store %arg8[%swap3A_119], %broadcast_in_dim3A_3 {strides = array<i32>} : memref<1024xf32, #tpu.memory_space<vmem>>, vector<16xf32>,
    %swap3A_121 = arith.constant 304 : index
    %swap3A_122 = tpu.vector_load %arg9[%swap3A_121] {strides = array<i32>} : memref<1024xf32, #tpu.memory_space<vmem>>, vector<16xf32>,
    tpu.vector_store %arg9[%swap3A_121], %broadcast_in_dim3A_3 {strides = array<i32>} : memref<1024xf32, #tpu.memory_space<vmem>>, vector<16xf32>,
    %swap3A_123 = arith.constant 320 : index
    %swap3A_124 = tpu.vector_load %arg7[%swap3A_123] {strides = array<i32>} : memref<1024xf32, #tpu.memory_space<vmem>>, vector<16xf32>,
    tpu.vector_store %arg7[%swap3A_123], %broadcast_in_dim3A_3 {strides = array<i32>} : memref<1024xf32, #tpu.memory_space<vmem>>, vector<16xf32>,
    %swap3A_125 = arith.constant 320 : index
    %swap3A_126 = tpu.vector_load %arg8[%swap3A_125] {strides = array<i32>} : memref<1024xf32, #tpu.memory_space<vmem>>, vector<16xf32>,
    tpu.vector_store %arg8[%swap3A_125], %broadcast_in_dim3A_3 {strides = array<i32>} : memref<1024xf32, #tpu.memory_space<vmem>>, vector<16xf32>,
    %swap3A_127 = arith.constant 320 : index
    %swap3A_128 = tpu.vector_load %arg9[%swap3A_127] {strides = array<i32>} : memref<1024xf32, #tpu.memory_space<vmem>>, vector<16xf32>,
    tpu.vector_store %arg9[%swap3A_127], %broadcast_in_dim3A_3 {strides = array<i32>} : memref<1024xf32, #tpu.memory_space<vmem>>, vector<16xf32>,
    %swap3A_129 = arith.constant 336 : index
    %swap3A_130 = tpu.vector_load %arg7[%swap3A_129] {strides = array<i32>} : memref<1024xf32, #tpu.memory_space<vmem>>, vector<16xf32>,
    tpu.vector_store %arg7[%swap3A_129], %broadcast_in_dim3A_3 {strides = array<i32>} : memref<1024xf32, #tpu.memory_space<vmem>>, vector<16xf32>,
    %swap3A_131 = arith.constant 336 : index
    %swap3A_132 = tpu.vector_load %arg8[%swap3A_131] {strides = array<i32>} : memref<1024xf32, #tpu.memory_space<vmem>>, vector<16xf32>,
    tpu.vector_store %arg8[%swap3A_131], %broadcast_in_dim3A_3 {strides = array<i32>} : memref<1024xf32, #tpu.memory_space<vmem>>, vector<16xf32>,
    %swap3A_133 = arith.constant 336 : index
    %swap3A_134 = tpu.vector_load %arg9[%swap3A_133] {strides = array<i32>} : memref<1024xf32, #tpu.memory_space<vmem>>, vector<16xf32>,
    tpu.vector_store %arg9[%swap3A_133], %broadcast_in_dim3A_3 {strides = array<i32>} : memref<1024xf32, #tpu.memory_space<vmem>>, vector<16xf32>,
    %swap3A_135 = arith.constant 352 : index
    %swap3A_136 = tpu.vector_load %arg7[%swap3A_135] {strides = array<i32>} : memref<1024xf32, #tpu.memory_space<vmem>>, vector<16xf32>,
    tpu.vector_store %arg7[%swap3A_135], %broadcast_in_dim3A_3 {strides = array<i32>} : memref<1024xf32, #tpu.memory_space<vmem>>, vector<16xf32>,
    %swap3A_137 = arith.constant 352 : index
    %swap3A_138 = tpu.vector_load %arg8[%swap3A_137] {strides = array<i32>} : memref<1024xf32, #tpu.memory_space<vmem>>, vector<16xf32>,
    tpu.vector_store %arg8[%swap3A_137], %broadcast_in_dim3A_3 {strides = array<i32>} : memref<1024xf32, #tpu.memory_space<vmem>>, vector<16xf32>,
    %swap3A_139 = arith.constant 352 : index
    %swap3A_140 = tpu.vector_load %arg9[%swap3A_139] {strides = array<i32>} : memref<1024xf32, #tpu.memory_space<vmem>>, vector<16xf32>,
    tpu.vector_store %arg9[%swap3A_139], %broadcast_in_dim3A_3 {strides = array<i32>} : memref<1024xf32, #tpu.memory_space<vmem>>, vector<16xf32>,
    %swap3A_141 = arith.constant 368 : index
    %swap3A_142 = tpu.vector_load %arg7[%swap3A_141] {strides = array<i32>} : memref<1024xf32, #tpu.memory_space<vmem>>, vector<16xf32>,
    tpu.vector_store %arg7[%swap3A_141], %broadcast_in_dim3A_3 {strides = array<i32>} : memref<1024xf32, #tpu.memory_space<vmem>>, vector<16xf32>,
    %swap3A_143 = arith.constant 368 : index
    %swap3A_144 = tpu.vector_load %arg8[%swap3A_143] {strides = array<i32>} : memref<1024xf32, #tpu.memory_space<vmem>>, vector<16xf32>,
    tpu.vector_store %arg8[%swap3A_143], %broadcast_in_dim3A_3 {strides = array<i32>} : memref<1024xf32, #tpu.memory_space<vmem>>, vector<16xf32>,
    %swap3A_145 = arith.constant 368 : index
    %swap3A_146 = tpu.vector_load %arg9[%swap3A_145] {strides = array<i32>} : memref<1024xf32, #tpu.memory_space<vmem>>, vector<16xf32>,
    tpu.vector_store %arg9[%swap3A_145], %broadcast_in_dim3A_3 {strides = array<i32>} : memref<1024xf32, #tpu.memory_space<vmem>>, vector<16xf32>,
    %swap3A_147 = arith.constant 384 : index
    %swap3A_148 = tpu.vector_load %arg7[%swap3A_147] {strides = array<i32>} : memref<1024xf32, #tpu.memory_space<vmem>>, vector<16xf32>,
    tpu.vector_store %arg7[%swap3A_147], %broadcast_in_dim3A_3 {strides = array<i32>} : memref<1024xf32, #tpu.memory_space<vmem>>, vector<16xf32>,
    %swap3A_149 = arith.constant 384 : index
    %swap3A_150 = tpu.vector_load %arg8[%swap3A_149] {strides = array<i32>} : memref<1024xf32, #tpu.memory_space<vmem>>, vector<16xf32>,
    tpu.vector_store %arg8[%swap3A_149], %broadcast_in_dim3A_3 {strides = array<i32>} : memref<1024xf32, #tpu.memory_space<vmem>>, vector<16xf32>,
    %swap3A_151 = arith.constant 384 : index
    %swap3A_152 = tpu.vector_load %arg9[%swap3A_151] {strides = array<i32>} : memref<1024xf32, #tpu.memory_space<vmem>>, vector<16xf32>,
    tpu.vector_store %arg9[%swap3A_151], %broadcast_in_dim3A_3 {strides = array<i32>} : memref<1024xf32, #tpu.memory_space<vmem>>, vector<16xf32>,
    %swap3A_153 = arith.constant 400 : index
    %swap3A_154 = tpu.vector_load %arg7[%swap3A_153] {strides = array<i32>} : memref<1024xf32, #tpu.memory_space<vmem>>, vector<16xf32>,
    tpu.vector_store %arg7[%swap3A_153], %broadcast_in_dim3A_3 {strides = array<i32>} : memref<1024xf32, #tpu.memory_space<vmem>>, vector<16xf32>,
    %swap3A_155 = arith.constant 400 : index
    %swap3A_156 = tpu.vector_load %arg8[%swap3A_155] {strides = array<i32>} : memref<1024xf32, #tpu.memory_space<vmem>>, vector<16xf32>,
    tpu.vector_store %arg8[%swap3A_155], %broadcast_in_dim3A_3 {strides = array<i32>} : memref<1024xf32, #tpu.memory_space<vmem>>, vector<16xf32>,
    %swap3A_157 = arith.constant 400 : index
    %swap3A_158 = tpu.vector_load %arg9[%swap3A_157] {strides = array<i32>} : memref<1024xf32, #tpu.memory_space<vmem>>, vector<16xf32>,
    tpu.vector_store %arg9[%swap3A_157], %broadcast_in_dim3A_3 {strides = array<i32>} : memref<1024xf32, #tpu.memory_space<vmem>>, vector<16xf32>,
    %swap3A_159 = arith.constant 416 : index
    %swap3A_160 = tpu.vector_load %arg7[%swap3A_159] {strides = array<i32>} : memref<1024xf32, #tpu.memory_space<vmem>>, vector<16xf32>,
    tpu.vector_store %arg7[%swap3A_159], %broadcast_in_dim3A_3 {strides = array<i32>} : memref<1024xf32, #tpu.memory_space<vmem>>, vector<16xf32>,
    %swap3A_161 = arith.constant 416 : index
    %swap3A_162 = tpu.vector_load %arg8[%swap3A_161] {strides = array<i32>} : memref<1024xf32, #tpu.memory_space<vmem>>, vector<16xf32>,
    tpu.vector_store %arg8[%swap3A_161], %broadcast_in_dim3A_3 {strides = array<i32>} : memref<1024xf32, #tpu.memory_space<vmem>>, vector<16xf32>,
    %swap3A_163 = arith.constant 416 : index
    %swap3A_164 = tpu.vector_load %arg9[%swap3A_163] {strides = array<i32>} : memref<1024xf32, #tpu.memory_space<vmem>>, vector<16xf32>,
    tpu.vector_store %arg9[%swap3A_163], %broadcast_in_dim3A_3 {strides = array<i32>} : memref<1024xf32, #tpu.memory_space<vmem>>, vector<16xf32>,
    %swap3A_165 = arith.constant 432 : index
    %swap3A_166 = tpu.vector_load %arg7[%swap3A_165] {strides = array<i32>} : memref<1024xf32, #tpu.memory_space<vmem>>, vector<16xf32>,
    tpu.vector_store %arg7[%swap3A_165], %broadcast_in_dim3A_3 {strides = array<i32>} : memref<1024xf32, #tpu.memory_space<vmem>>, vector<16xf32>,
    %swap3A_167 = arith.constant 432 : index
    %swap3A_168 = tpu.vector_load %arg8[%swap3A_167] {strides = array<i32>} : memref<1024xf32, #tpu.memory_space<vmem>>, vector<16xf32>,
    tpu.vector_store %arg8[%swap3A_167], %broadcast_in_dim3A_3 {strides = array<i32>} : memref<1024xf32, #tpu.memory_space<vmem>>, vector<16xf32>,
    %swap3A_169 = arith.constant 432 : index
    %swap3A_170 = tpu.vector_load %arg9[%swap3A_169] {strides = array<i32>} : memref<1024xf32, #tpu.memory_space<vmem>>, vector<16xf32>,
    tpu.vector_store %arg9[%swap3A_169], %broadcast_in_dim3A_3 {strides = array<i32>} : memref<1024xf32, #tpu.memory_space<vmem>>, vector<16xf32>,
    %swap3A_171 = arith.constant 448 : index
    %swap3A_172 = tpu.vector_load %arg7[%swap3A_171] {strides = array<i32>} : memref<1024xf32, #tpu.memory_space<vmem>>, vector<16xf32>,
    tpu.vector_store %arg7[%swap3A_171], %broadcast_in_dim3A_3 {strides = array<i32>} : memref<1024xf32, #tpu.memory_space<vmem>>, vector<16xf32>,
    %swap3A_173 = arith.constant 448 : index
    %swap3A_174 = tpu.vector_load %arg8[%swap3A_173] {strides = array<i32>} : memref<1024xf32, #tpu.memory_space<vmem>>, vector<16xf32>,
    tpu.vector_store %arg8[%swap3A_173], %broadcast_in_dim3A_3 {strides = array<i32>} : memref<1024xf32, #tpu.memory_space<vmem>>, vector<16xf32>,
    %swap3A_175 = arith.constant 448 : index
    %swap3A_176 = tpu.vector_load %arg9[%swap3A_175] {strides = array<i32>} : memref<1024xf32, #tpu.memory_space<vmem>>, vector<16xf32>,
    tpu.vector_store %arg9[%swap3A_175], %broadcast_in_dim3A_3 {strides = array<i32>} : memref<1024xf32, #tpu.memory_space<vmem>>, vector<16xf32>,
    %swap3A_177 = arith.constant 464 : index
    %swap3A_178 = tpu.vector_load %arg7[%swap3A_177] {strides = array<i32>} : memref<1024xf32, #tpu.memory_space<vmem>>, vector<16xf32>,
    tpu.vector_store %arg7[%swap3A_177], %broadcast_in_dim3A_3 {strides = array<i32>} : memref<1024xf32, #tpu.memory_space<vmem>>, vector<16xf32>,
    %swap3A_179 = arith.constant 464 : index
    %swap3A_180 = tpu.vector_load %arg8[%swap3A_179] {strides = array<i32>} : memref<1024xf32, #tpu.memory_space<vmem>>, vector<16xf32>,
    tpu.vector_store %arg8[%swap3A_179], %broadcast_in_dim3A_3 {strides = array<i32>} : memref<1024xf32, #tpu.memory_space<vmem>>, vector<16xf32>,
    %swap3A_181 = arith.constant 464 : index
    %swap3A_182 = tpu.vector_load %arg9[%swap3A_181] {strides = array<i32>} : memref<1024xf32, #tpu.memory_space<vmem>>, vector<16xf32>,
    tpu.vector_store %arg9[%swap3A_181], %broadcast_in_dim3A_3 {strides = array<i32>} : memref<1024xf32, #tpu.memory_space<vmem>>, vector<16xf32>,
    %swap3A_183 = arith.constant 480 : index
    %swap3A_184 = tpu.vector_load %arg7[%swap3A_183] {strides = array<i32>} : memref<1024xf32, #tpu.memory_space<vmem>>, vector<16xf32>,
    tpu.vector_store %arg7[%swap3A_183], %broadcast_in_dim3A_3 {strides = array<i32>} : memref<1024xf32, #tpu.memory_space<vmem>>, vector<16xf32>,
    %swap3A_185 = arith.constant 480 : index
    %swap3A_186 = tpu.vector_load %arg8[%swap3A_185] {strides = array<i32>} : memref<1024xf32, #tpu.memory_space<vmem>>, vector<16xf32>,
    tpu.vector_store %arg8[%swap3A_185], %broadcast_in_dim3A_3 {strides = array<i32>} : memref<1024xf32, #tpu.memory_space<vmem>>, vector<16xf32>,
    %swap3A_187 = arith.constant 480 : index
    %swap3A_188 = tpu.vector_load %arg9[%swap3A_187] {strides = array<i32>} : memref<1024xf32, #tpu.memory_space<vmem>>, vector<16xf32>,
    tpu.vector_store %arg9[%swap3A_187], %broadcast_in_dim3A_3 {strides = array<i32>} : memref<1024xf32, #tpu.memory_space<vmem>>, vector<16xf32>,
    %swap3A_189 = arith.constant 496 : index
    %swap3A_190 = tpu.vector_load %arg7[%swap3A_189] {strides = array<i32>} : memref<1024xf32, #tpu.memory_space<vmem>>, vector<16xf32>,
    tpu.vector_store %arg7[%swap3A_189], %broadcast_in_dim3A_3 {strides = array<i32>} : memref<1024xf32, #tpu.memory_space<vmem>>, vector<16xf32>,
    %swap3A_191 = arith.constant 496 : index
    %swap3A_192 = tpu.vector_load %arg8[%swap3A_191] {strides = array<i32>} : memref<1024xf32, #tpu.memory_space<vmem>>, vector<16xf32>,
    tpu.vector_store %arg8[%swap3A_191], %broadcast_in_dim3A_3 {strides = array<i32>} : memref<1024xf32, #tpu.memory_space<vmem>>, vector<16xf32>,
    %swap3A_193 = arith.constant 496 : index
    %swap3A_194 = tpu.vector_load %arg9[%swap3A_193] {strides = array<i32>} : memref<1024xf32, #tpu.memory_space<vmem>>, vector<16xf32>,
    tpu.vector_store %arg9[%swap3A_193], %broadcast_in_dim3A_3 {strides = array<i32>} : memref<1024xf32, #tpu.memory_space<vmem>>, vector<16xf32>,
    %swap3A_195 = arith.constant 512 : index
    %swap3A_196 = tpu.vector_load %arg7[%swap3A_195] {strides = array<i32>} : memref<1024xf32, #tpu.memory_space<vmem>>, vector<16xf32>,
    tpu.vector_store %arg7[%swap3A_195], %broadcast_in_dim3A_3 {strides = array<i32>} : memref<1024xf32, #tpu.memory_space<vmem>>, vector<16xf32>,
    %swap3A_197 = arith.constant 512 : index
    %swap3A_198 = tpu.vector_load %arg8[%swap3A_197] {strides = array<i32>} : memref<1024xf32, #tpu.memory_space<vmem>>, vector<16xf32>,
    tpu.vector_store %arg8[%swap3A_197], %broadcast_in_dim3A_3 {strides = array<i32>} : memref<1024xf32, #tpu.memory_space<vmem>>, vector<16xf32>,
    %swap3A_199 = arith.constant 512 : index
    %swap3A_200 = tpu.vector_load %arg9[%swap3A_199] {strides = array<i32>} : memref<1024xf32, #tpu.memory_space<vmem>>, vector<16xf32>,
    tpu.vector_store %arg9[%swap3A_199], %broadcast_in_dim3A_3 {strides = array<i32>} : memref<1024xf32, #tpu.memory_space<vmem>>, vector<16xf32>,
    %swap3A_201 = arith.constant 528 : index
    %swap3A_202 = tpu.vector_load %arg7[%swap3A_201] {strides = array<i32>} : memref<1024xf32, #tpu.memory_space<vmem>>, vector<16xf32>,
    tpu.vector_store %arg7[%swap3A_201], %broadcast_in_dim3A_3 {strides = array<i32>} : memref<1024xf32, #tpu.memory_space<vmem>>, vector<16xf32>,
    %swap3A_203 = arith.constant 528 : index
    %swap3A_204 = tpu.vector_load %arg8[%swap3A_203] {strides = array<i32>} : memref<1024xf32, #tpu.memory_space<vmem>>, vector<16xf32>,
    tpu.vector_store %arg8[%swap3A_203], %broadcast_in_dim3A_3 {strides = array<i32>} : memref<1024xf32, #tpu.memory_space<vmem>>, vector<16xf32>,
    %swap3A_205 = arith.constant 528 : index
    %swap3A_206 = tpu.vector_load %arg9[%swap3A_205] {strides = array<i32>} : memref<1024xf32, #tpu.memory_space<vmem>>, vector<16xf32>,
    tpu.vector_store %arg9[%swap3A_205], %broadcast_in_dim3A_3 {strides = array<i32>} : memref<1024xf32, #tpu.memory_space<vmem>>, vector<16xf32>,
    %swap3A_207 = arith.constant 544 : index
    %swap3A_208 = tpu.vector_load %arg7[%swap3A_207] {strides = array<i32>} : memref<1024xf32, #tpu.memory_space<vmem>>, vector<16xf32>,
    tpu.vector_store %arg7[%swap3A_207], %broadcast_in_dim3A_3 {strides = array<i32>} : memref<1024xf32, #tpu.memory_space<vmem>>, vector<16xf32>,
    %swap3A_209 = arith.constant 544 : index
    %swap3A_210 = tpu.vector_load %arg8[%swap3A_209] {strides = array<i32>} : memref<1024xf32, #tpu.memory_space<vmem>>, vector<16xf32>,
    tpu.vector_store %arg8[%swap3A_209], %broadcast_in_dim3A_3 {strides = array<i32>} : memref<1024xf32, #tpu.memory_space<vmem>>, vector<16xf32>,
    %swap3A_211 = arith.constant 544 : index
    %swap3A_212 = tpu.vector_load %arg9[%swap3A_211] {strides = array<i32>} : memref<1024xf32, #tpu.memory_space<vmem>>, vector<16xf32>,
    tpu.vector_store %arg9[%swap3A_211], %broadcast_in_dim3A_3 {strides = array<i32>} : memref<1024xf32, #tpu.memory_space<vmem>>, vector<16xf32>,
    %swap3A_213 = arith.constant 560 : index
    %swap3A_214 = tpu.vector_load %arg7[%swap3A_213] {strides = array<i32>} : memref<1024xf32, #tpu.memory_space<vmem>>, vector<16xf32>,
    tpu.vector_store %arg7[%swap3A_213], %broadcast_in_dim3A_3 {strides = array<i32>} : memref<1024xf32, #tpu.memory_space<vmem>>, vector<16xf32>,
    %swap3A_215 = arith.constant 560 : index
    %swap3A_216 = tpu.vector_load %arg8[%swap3A_215] {strides = array<i32>} : memref<1024xf32, #tpu.memory_space<vmem>>, vector<16xf32>,
    tpu.vector_store %arg8[%swap3A_215], %broadcast_in_dim3A_3 {strides = array<i32>} : memref<1024xf32, #tpu.memory_space<vmem>>, vector<16xf32>,
    %swap3A_217 = arith.constant 560 : index
    %swap3A_218 = tpu.vector_load %arg9[%swap3A_217] {strides = array<i32>} : memref<1024xf32, #tpu.memory_space<vmem>>, vector<16xf32>,
    tpu.vector_store %arg9[%swap3A_217], %broadcast_in_dim3A_3 {strides = array<i32>} : memref<1024xf32, #tpu.memory_space<vmem>>, vector<16xf32>,
    %swap3A_219 = arith.constant 576 : index
    %swap3A_220 = tpu.vector_load %arg7[%swap3A_219] {strides = array<i32>} : memref<1024xf32, #tpu.memory_space<vmem>>, vector<16xf32>,
    tpu.vector_store %arg7[%swap3A_219], %broadcast_in_dim3A_3 {strides = array<i32>} : memref<1024xf32, #tpu.memory_space<vmem>>, vector<16xf32>,
    %swap3A_221 = arith.constant 576 : index
    %swap3A_222 = tpu.vector_load %arg8[%swap3A_221] {strides = array<i32>} : memref<1024xf32, #tpu.memory_space<vmem>>, vector<16xf32>,
    tpu.vector_store %arg8[%swap3A_221], %broadcast_in_dim3A_3 {strides = array<i32>} : memref<1024xf32, #tpu.memory_space<vmem>>, vector<16xf32>,
    %swap3A_223 = arith.constant 576 : index
    %swap3A_224 = tpu.vector_load %arg9[%swap3A_223] {strides = array<i32>} : memref<1024xf32, #tpu.memory_space<vmem>>, vector<16xf32>,
    tpu.vector_store %arg9[%swap3A_223], %broadcast_in_dim3A_3 {strides = array<i32>} : memref<1024xf32, #tpu.memory_space<vmem>>, vector<16xf32>,
    %swap3A_225 = arith.constant 592 : index
    %swap3A_226 = tpu.vector_load %arg7[%swap3A_225] {strides = array<i32>} : memref<1024xf32, #tpu.memory_space<vmem>>, vector<16xf32>,
    tpu.vector_store %arg7[%swap3A_225], %broadcast_in_dim3A_3 {strides = array<i32>} : memref<1024xf32, #tpu.memory_space<vmem>>, vector<16xf32>,
    %swap3A_227 = arith.constant 592 : index
    %swap3A_228 = tpu.vector_load %arg8[%swap3A_227] {strides = array<i32>} : memref<1024xf32, #tpu.memory_space<vmem>>, vector<16xf32>,
    tpu.vector_store %arg8[%swap3A_227], %broadcast_in_dim3A_3 {strides = array<i32>} : memref<1024xf32, #tpu.memory_space<vmem>>, vector<16xf32>,
    %swap3A_229 = arith.constant 592 : index
    %swap3A_230 = tpu.vector_load %arg9[%swap3A_229] {strides = array<i32>} : memref<1024xf32, #tpu.memory_space<vmem>>, vector<16xf32>,
    tpu.vector_store %arg9[%swap3A_229], %broadcast_in_dim3A_3 {strides = array<i32>} : memref<1024xf32, #tpu.memory_space<vmem>>, vector<16xf32>,
    %swap3A_231 = arith.constant 608 : index
    %swap3A_232 = tpu.vector_load %arg7[%swap3A_231] {strides = array<i32>} : memref<1024xf32, #tpu.memory_space<vmem>>, vector<16xf32>,
    tpu.vector_store %arg7[%swap3A_231], %broadcast_in_dim3A_3 {strides = array<i32>} : memref<1024xf32, #tpu.memory_space<vmem>>, vector<16xf32>,
    %swap3A_233 = arith.constant 608 : index
    %swap3A_234 = tpu.vector_load %arg8[%swap3A_233] {strides = array<i32>} : memref<1024xf32, #tpu.memory_space<vmem>>, vector<16xf32>,
    tpu.vector_store %arg8[%swap3A_233], %broadcast_in_dim3A_3 {strides = array<i32>} : memref<1024xf32, #tpu.memory_space<vmem>>, vector<16xf32>,
    %swap3A_235 = arith.constant 608 : index
    %swap3A_236 = tpu.vector_load %arg9[%swap3A_235] {strides = array<i32>} : memref<1024xf32, #tpu.memory_space<vmem>>, vector<16xf32>,
    tpu.vector_store %arg9[%swap3A_235], %broadcast_in_dim3A_3 {strides = array<i32>} : memref<1024xf32, #tpu.memory_space<vmem>>, vector<16xf32>,
    %swap3A_237 = arith.constant 624 : index
    %swap3A_238 = tpu.vector_load %arg7[%swap3A_237] {strides = array<i32>} : memref<1024xf32, #tpu.memory_space<vmem>>, vector<16xf32>,
    tpu.vector_store %arg7[%swap3A_237], %broadcast_in_dim3A_3 {strides = array<i32>} : memref<1024xf32, #tpu.memory_space<vmem>>, vector<16xf32>,
    %swap3A_239 = arith.constant 624 : index
    %swap3A_240 = tpu.vector_load %arg8[%swap3A_239] {strides = array<i32>} : memref<1024xf32, #tpu.memory_space<vmem>>, vector<16xf32>,
    tpu.vector_store %arg8[%swap3A_239], %broadcast_in_dim3A_3 {strides = array<i32>} : memref<1024xf32, #tpu.memory_space<vmem>>, vector<16xf32>,
    %swap3A_241 = arith.constant 624 : index
    %swap3A_242 = tpu.vector_load %arg9[%swap3A_241] {strides = array<i32>} : memref<1024xf32, #tpu.memory_space<vmem>>, vector<16xf32>,
    tpu.vector_store %arg9[%swap3A_241], %broadcast_in_dim3A_3 {strides = array<i32>} : memref<1024xf32, #tpu.memory_space<vmem>>, vector<16xf32>,
    %swap3A_243 = arith.constant 640 : index
    %swap3A_244 = tpu.vector_load %arg7[%swap3A_243] {strides = array<i32>} : memref<1024xf32, #tpu.memory_space<vmem>>, vector<16xf32>,
    tpu.vector_store %arg7[%swap3A_243], %broadcast_in_dim3A_3 {strides = array<i32>} : memref<1024xf32, #tpu.memory_space<vmem>>, vector<16xf32>,
    %swap3A_245 = arith.constant 640 : index
    %swap3A_246 = tpu.vector_load %arg8[%swap3A_245] {strides = array<i32>} : memref<1024xf32, #tpu.memory_space<vmem>>, vector<16xf32>,
    tpu.vector_store %arg8[%swap3A_245], %broadcast_in_dim3A_3 {strides = array<i32>} : memref<1024xf32, #tpu.memory_space<vmem>>, vector<16xf32>,
    %swap3A_247 = arith.constant 640 : index
    %swap3A_248 = tpu.vector_load %arg9[%swap3A_247] {strides = array<i32>} : memref<1024xf32, #tpu.memory_space<vmem>>, vector<16xf32>,
    tpu.vector_store %arg9[%swap3A_247], %broadcast_in_dim3A_3 {strides = array<i32>} : memref<1024xf32, #tpu.memory_space<vmem>>, vector<16xf32>,
    %swap3A_249 = arith.constant 656 : index
    %swap3A_250 = tpu.vector_load %arg7[%swap3A_249] {strides = array<i32>} : memref<1024xf32, #tpu.memory_space<vmem>>, vector<16xf32>,
    tpu.vector_store %arg7[%swap3A_249], %broadcast_in_dim3A_3 {strides = array<i32>} : memref<1024xf32, #tpu.memory_space<vmem>>, vector<16xf32>,
    %swap3A_251 = arith.constant 656 : index
    %swap3A_252 = tpu.vector_load %arg8[%swap3A_251] {strides = array<i32>} : memref<1024xf32, #tpu.memory_space<vmem>>, vector<16xf32>,
    tpu.vector_store %arg8[%swap3A_251], %broadcast_in_dim3A_3 {strides = array<i32>} : memref<1024xf32, #tpu.memory_space<vmem>>, vector<16xf32>,
    %swap3A_253 = arith.constant 656 : index
    %swap3A_254 = tpu.vector_load %arg9[%swap3A_253] {strides = array<i32>} : memref<1024xf32, #tpu.memory_space<vmem>>, vector<16xf32>,
    tpu.vector_store %arg9[%swap3A_253], %broadcast_in_dim3A_3 {strides = array<i32>} : memref<1024xf32, #tpu.memory_space<vmem>>, vector<16xf32>,
    %swap3A_255 = arith.constant 672 : index
    %swap3A_256 = tpu.vector_load %arg7[%swap3A_255] {strides = array<i32>} : memref<1024xf32, #tpu.memory_space<vmem>>, vector<16xf32>,
    tpu.vector_store %arg7[%swap3A_255], %broadcast_in_dim3A_3 {strides = array<i32>} : memref<1024xf32, #tpu.memory_space<vmem>>, vector<16xf32>,
    %swap3A_257 = arith.constant 672 : index
    %swap3A_258 = tpu.vector_load %arg8[%swap3A_257] {strides = array<i32>} : memref<1024xf32, #tpu.memory_space<vmem>>, vector<16xf32>,
    tpu.vector_store %arg8[%swap3A_257], %broadcast_in_dim3A_3 {strides = array<i32>} : memref<1024xf32, #tpu.memory_space<vmem>>, vector<16xf32>,
    %swap3A_259 = arith.constant 672 : index
    %swap3A_260 = tpu.vector_load %arg9[%swap3A_259] {strides = array<i32>} : memref<1024xf32, #tpu.memory_space<vmem>>, vector<16xf32>,
    tpu.vector_store %arg9[%swap3A_259], %broadcast_in_dim3A_3 {strides = array<i32>} : memref<1024xf32, #tpu.memory_space<vmem>>, vector<16xf32>,
    %swap3A_261 = arith.constant 688 : index
    %swap3A_262 = tpu.vector_load %arg7[%swap3A_261] {strides = array<i32>} : memref<1024xf32, #tpu.memory_space<vmem>>, vector<16xf32>,
    tpu.vector_store %arg7[%swap3A_261], %broadcast_in_dim3A_3 {strides = array<i32>} : memref<1024xf32, #tpu.memory_space<vmem>>, vector<16xf32>,
    %swap3A_263 = arith.constant 688 : index
    %swap3A_264 = tpu.vector_load %arg8[%swap3A_263] {strides = array<i32>} : memref<1024xf32, #tpu.memory_space<vmem>>, vector<16xf32>,
    tpu.vector_store %arg8[%swap3A_263], %broadcast_in_dim3A_3 {strides = array<i32>} : memref<1024xf32, #tpu.memory_space<vmem>>, vector<16xf32>,
    %swap3A_265 = arith.constant 688 : index
    %swap3A_266 = tpu.vector_load %arg9[%swap3A_265] {strides = array<i32>} : memref<1024xf32, #tpu.memory_space<vmem>>, vector<16xf32>,
    tpu.vector_store %arg9[%swap3A_265], %broadcast_in_dim3A_3 {strides = array<i32>} : memref<1024xf32, #tpu.memory_space<vmem>>, vector<16xf32>,
    %swap3A_267 = arith.constant 704 : index
    %swap3A_268 = tpu.vector_load %arg7[%swap3A_267] {strides = array<i32>} : memref<1024xf32, #tpu.memory_space<vmem>>, vector<16xf32>,
    tpu.vector_store %arg7[%swap3A_267], %broadcast_in_dim3A_3 {strides = array<i32>} : memref<1024xf32, #tpu.memory_space<vmem>>, vector<16xf32>,
    %swap3A_269 = arith.constant 704 : index
    %swap3A_270 = tpu.vector_load %arg8[%swap3A_269] {strides = array<i32>} : memref<1024xf32, #tpu.memory_space<vmem>>, vector<16xf32>,
    tpu.vector_store %arg8[%swap3A_269], %broadcast_in_dim3A_3 {strides = array<i32>} : memref<1024xf32, #tpu.memory_space<vmem>>, vector<16xf32>,
    %swap3A_271 = arith.constant 704 : index
    %swap3A_272 = tpu.vector_load %arg9[%swap3A_271] {strides = array<i32>} : memref<1024xf32, #tpu.memory_space<vmem>>, vector<16xf32>,
    tpu.vector_store %arg9[%swap3A_271], %broadcast_in_dim3A_3 {strides = array<i32>} : memref<1024xf32, #tpu.memory_space<vmem>>, vector<16xf32>,
    %swap3A_273 = arith.constant 720 : index
    %swap3A_274 = tpu.vector_load %arg7[%swap3A_273] {strides = array<i32>} : memref<1024xf32, #tpu.memory_space<vmem>>, vector<16xf32>,
    tpu.vector_store %arg7[%swap3A_273], %broadcast_in_dim3A_3 {strides = array<i32>} : memref<1024xf32, #tpu.memory_space<vmem>>, vector<16xf32>,
    %swap3A_275 = arith.constant 720 : index
    %swap3A_276 = tpu.vector_load %arg8[%swap3A_275] {strides = array<i32>} : memref<1024xf32, #tpu.memory_space<vmem>>, vector<16xf32>,
    tpu.vector_store %arg8[%swap3A_275], %broadcast_in_dim3A_3 {strides = array<i32>} : memref<1024xf32, #tpu.memory_space<vmem>>, vector<16xf32>,
    %swap3A_277 = arith.constant 720 : index
    %swap3A_278 = tpu.vector_load %arg9[%swap3A_277] {strides = array<i32>} : memref<1024xf32, #tpu.memory_space<vmem>>, vector<16xf32>,
    tpu.vector_store %arg9[%swap3A_277], %broadcast_in_dim3A_3 {strides = array<i32>} : memref<1024xf32, #tpu.memory_space<vmem>>, vector<16xf32>,
    %swap3A_279 = arith.constant 736 : index
    %swap3A_280 = tpu.vector_load %arg7[%swap3A_279] {strides = array<i32>} : memref<1024xf32, #tpu.memory_space<vmem>>, vector<16xf32>,
    tpu.vector_store %arg7[%swap3A_279], %broadcast_in_dim3A_3 {strides = array<i32>} : memref<1024xf32, #tpu.memory_space<vmem>>, vector<16xf32>,
    %swap3A_281 = arith.constant 736 : index
    %swap3A_282 = tpu.vector_load %arg8[%swap3A_281] {strides = array<i32>} : memref<1024xf32, #tpu.memory_space<vmem>>, vector<16xf32>,
    tpu.vector_store %arg8[%swap3A_281], %broadcast_in_dim3A_3 {strides = array<i32>} : memref<1024xf32, #tpu.memory_space<vmem>>, vector<16xf32>,
    %swap3A_283 = arith.constant 736 : index
    %swap3A_284 = tpu.vector_load %arg9[%swap3A_283] {strides = array<i32>} : memref<1024xf32, #tpu.memory_space<vmem>>, vector<16xf32>,
    tpu.vector_store %arg9[%swap3A_283], %broadcast_in_dim3A_3 {strides = array<i32>} : memref<1024xf32, #tpu.memory_space<vmem>>, vector<16xf32>,
    %swap3A_285 = arith.constant 752 : index
    %swap3A_286 = tpu.vector_load %arg7[%swap3A_285] {strides = array<i32>} : memref<1024xf32, #tpu.memory_space<vmem>>, vector<16xf32>,
    tpu.vector_store %arg7[%swap3A_285], %broadcast_in_dim3A_3 {strides = array<i32>} : memref<1024xf32, #tpu.memory_space<vmem>>, vector<16xf32>,
    %swap3A_287 = arith.constant 752 : index
    %swap3A_288 = tpu.vector_load %arg8[%swap3A_287] {strides = array<i32>} : memref<1024xf32, #tpu.memory_space<vmem>>, vector<16xf32>,
    tpu.vector_store %arg8[%swap3A_287], %broadcast_in_dim3A_3 {strides = array<i32>} : memref<1024xf32, #tpu.memory_space<vmem>>, vector<16xf32>,
    %swap3A_289 = arith.constant 752 : index
    %swap3A_290 = tpu.vector_load %arg9[%swap3A_289] {strides = array<i32>} : memref<1024xf32, #tpu.memory_space<vmem>>, vector<16xf32>,
    tpu.vector_store %arg9[%swap3A_289], %broadcast_in_dim3A_3 {strides = array<i32>} : memref<1024xf32, #tpu.memory_space<vmem>>, vector<16xf32>,
    %swap3A_291 = arith.constant 768 : index
    %swap3A_292 = tpu.vector_load %arg7[%swap3A_291] {strides = array<i32>} : memref<1024xf32, #tpu.memory_space<vmem>>, vector<16xf32>,
    tpu.vector_store %arg7[%swap3A_291], %broadcast_in_dim3A_3 {strides = array<i32>} : memref<1024xf32, #tpu.memory_space<vmem>>, vector<16xf32>,
    %swap3A_293 = arith.constant 768 : index
    %swap3A_294 = tpu.vector_load %arg8[%swap3A_293] {strides = array<i32>} : memref<1024xf32, #tpu.memory_space<vmem>>, vector<16xf32>,
    tpu.vector_store %arg8[%swap3A_293], %broadcast_in_dim3A_3 {strides = array<i32>} : memref<1024xf32, #tpu.memory_space<vmem>>, vector<16xf32>,
    %swap3A_295 = arith.constant 768 : index
    %swap3A_296 = tpu.vector_load %arg9[%swap3A_295] {strides = array<i32>} : memref<1024xf32, #tpu.memory_space<vmem>>, vector<16xf32>,
    tpu.vector_store %arg9[%swap3A_295], %broadcast_in_dim3A_3 {strides = array<i32>} : memref<1024xf32, #tpu.memory_space<vmem>>, vector<16xf32>,
    %swap3A_297 = arith.constant 784 : index
    %swap3A_298 = tpu.vector_load %arg7[%swap3A_297] {strides = array<i32>} : memref<1024xf32, #tpu.memory_space<vmem>>, vector<16xf32>,
    tpu.vector_store %arg7[%swap3A_297], %broadcast_in_dim3A_3 {strides = array<i32>} : memref<1024xf32, #tpu.memory_space<vmem>>, vector<16xf32>,
    %swap3A_299 = arith.constant 784 : index
    %swap3A_300 = tpu.vector_load %arg8[%swap3A_299] {strides = array<i32>} : memref<1024xf32, #tpu.memory_space<vmem>>, vector<16xf32>,
    tpu.vector_store %arg8[%swap3A_299], %broadcast_in_dim3A_3 {strides = array<i32>} : memref<1024xf32, #tpu.memory_space<vmem>>, vector<16xf32>,
    %swap3A_301 = arith.constant 784 : index
    %swap3A_302 = tpu.vector_load %arg9[%swap3A_301] {strides = array<i32>} : memref<1024xf32, #tpu.memory_space<vmem>>, vector<16xf32>,
    tpu.vector_store %arg9[%swap3A_301], %broadcast_in_dim3A_3 {strides = array<i32>} : memref<1024xf32, #tpu.memory_space<vmem>>, vector<16xf32>,
    %swap3A_303 = arith.constant 800 : index
    %swap3A_304 = tpu.vector_load %arg7[%swap3A_303] {strides = array<i32>} : memref<1024xf32, #tpu.memory_space<vmem>>, vector<16xf32>,
    tpu.vector_store %arg7[%swap3A_303], %broadcast_in_dim3A_3 {strides = array<i32>} : memref<1024xf32, #tpu.memory_space<vmem>>, vector<16xf32>,
    %swap3A_305 = arith.constant 800 : index
    %swap3A_306 = tpu.vector_load %arg8[%swap3A_305] {strides = array<i32>} : memref<1024xf32, #tpu.memory_space<vmem>>, vector<16xf32>,
    tpu.vector_store %arg8[%swap3A_305], %broadcast_in_dim3A_3 {strides = array<i32>} : memref<1024xf32, #tpu.memory_space<vmem>>, vector<16xf32>,
    %swap3A_307 = arith.constant 800 : index
    %swap3A_308 = tpu.vector_load %arg9[%swap3A_307] {strides = array<i32>} : memref<1024xf32, #tpu.memory_space<vmem>>, vector<16xf32>,
    tpu.vector_store %arg9[%swap3A_307], %broadcast_in_dim3A_3 {strides = array<i32>} : memref<1024xf32, #tpu.memory_space<vmem>>, vector<16xf32>,
    %swap3A_309 = arith.constant 816 : index
    %swap3A_310 = tpu.vector_load %arg7[%swap3A_309] {strides = array<i32>} : memref<1024xf32, #tpu.memory_space<vmem>>, vector<16xf32>,
    tpu.vector_store %arg7[%swap3A_309], %broadcast_in_dim3A_3 {strides = array<i32>} : memref<1024xf32, #tpu.memory_space<vmem>>, vector<16xf32>,
    %swap3A_311 = arith.constant 816 : index
    %swap3A_312 = tpu.vector_load %arg8[%swap3A_311] {strides = array<i32>} : memref<1024xf32, #tpu.memory_space<vmem>>, vector<16xf32>,
    tpu.vector_store %arg8[%swap3A_311], %broadcast_in_dim3A_3 {strides = array<i32>} : memref<1024xf32, #tpu.memory_space<vmem>>, vector<16xf32>,
    %swap3A_313 = arith.constant 816 : index
    %swap3A_314 = tpu.vector_load %arg9[%swap3A_313] {strides = array<i32>} : memref<1024xf32, #tpu.memory_space<vmem>>, vector<16xf32>,
    tpu.vector_store %arg9[%swap3A_313], %broadcast_in_dim3A_3 {strides = array<i32>} : memref<1024xf32, #tpu.memory_space<vmem>>, vector<16xf32>,
    %swap3A_315 = arith.constant 832 : index
    %swap3A_316 = tpu.vector_load %arg7[%swap3A_315] {strides = array<i32>} : memref<1024xf32, #tpu.memory_space<vmem>>, vector<16xf32>,
    tpu.vector_store %arg7[%swap3A_315], %broadcast_in_dim3A_3 {strides = array<i32>} : memref<1024xf32, #tpu.memory_space<vmem>>, vector<16xf32>,
    %swap3A_317 = arith.constant 832 : index
    %swap3A_318 = tpu.vector_load %arg8[%swap3A_317] {strides = array<i32>} : memref<1024xf32, #tpu.memory_space<vmem>>, vector<16xf32>,
    tpu.vector_store %arg8[%swap3A_317], %broadcast_in_dim3A_3 {strides = array<i32>} : memref<1024xf32, #tpu.memory_space<vmem>>, vector<16xf32>,
    %swap3A_319 = arith.constant 832 : index
    %swap3A_320 = tpu.vector_load %arg9[%swap3A_319] {strides = array<i32>} : memref<1024xf32, #tpu.memory_space<vmem>>, vector<16xf32>,
    tpu.vector_store %arg9[%swap3A_319], %broadcast_in_dim3A_3 {strides = array<i32>} : memref<1024xf32, #tpu.memory_space<vmem>>, vector<16xf32>,
    %swap3A_321 = arith.constant 848 : index
    %swap3A_322 = tpu.vector_load %arg7[%swap3A_321] {strides = array<i32>} : memref<1024xf32, #tpu.memory_space<vmem>>, vector<16xf32>,
    tpu.vector_store %arg7[%swap3A_321], %broadcast_in_dim3A_3 {strides = array<i32>} : memref<1024xf32, #tpu.memory_space<vmem>>, vector<16xf32>,
    %swap3A_323 = arith.constant 848 : index
    %swap3A_324 = tpu.vector_load %arg8[%swap3A_323] {strides = array<i32>} : memref<1024xf32, #tpu.memory_space<vmem>>, vector<16xf32>,
    tpu.vector_store %arg8[%swap3A_323], %broadcast_in_dim3A_3 {strides = array<i32>} : memref<1024xf32, #tpu.memory_space<vmem>>, vector<16xf32>,
    %swap3A_325 = arith.constant 848 : index
    %swap3A_326 = tpu.vector_load %arg9[%swap3A_325] {strides = array<i32>} : memref<1024xf32, #tpu.memory_space<vmem>>, vector<16xf32>,
    tpu.vector_store %arg9[%swap3A_325], %broadcast_in_dim3A_3 {strides = array<i32>} : memref<1024xf32, #tpu.memory_space<vmem>>, vector<16xf32>,
    %swap3A_327 = arith.constant 864 : index
    %swap3A_328 = tpu.vector_load %arg7[%swap3A_327] {strides = array<i32>} : memref<1024xf32, #tpu.memory_space<vmem>>, vector<16xf32>,
    tpu.vector_store %arg7[%swap3A_327], %broadcast_in_dim3A_3 {strides = array<i32>} : memref<1024xf32, #tpu.memory_space<vmem>>, vector<16xf32>,
    %swap3A_329 = arith.constant 864 : index
    %swap3A_330 = tpu.vector_load %arg8[%swap3A_329] {strides = array<i32>} : memref<1024xf32, #tpu.memory_space<vmem>>, vector<16xf32>,
    tpu.vector_store %arg8[%swap3A_329], %broadcast_in_dim3A_3 {strides = array<i32>} : memref<1024xf32, #tpu.memory_space<vmem>>, vector<16xf32>,
    %swap3A_331 = arith.constant 864 : index
    %swap3A_332 = tpu.vector_load %arg9[%swap3A_331] {strides = array<i32>} : memref<1024xf32, #tpu.memory_space<vmem>>, vector<16xf32>,
    tpu.vector_store %arg9[%swap3A_331], %broadcast_in_dim3A_3 {strides = array<i32>} : memref<1024xf32, #tpu.memory_space<vmem>>, vector<16xf32>,
    %swap3A_333 = arith.constant 880 : index
    %swap3A_334 = tpu.vector_load %arg7[%swap3A_333] {strides = array<i32>} : memref<1024xf32, #tpu.memory_space<vmem>>, vector<16xf32>,
    tpu.vector_store %arg7[%swap3A_333], %broadcast_in_dim3A_3 {strides = array<i32>} : memref<1024xf32, #tpu.memory_space<vmem>>, vector<16xf32>,
    %swap3A_335 = arith.constant 880 : index
    %swap3A_336 = tpu.vector_load %arg8[%swap3A_335] {strides = array<i32>} : memref<1024xf32, #tpu.memory_space<vmem>>, vector<16xf32>,
    tpu.vector_store %arg8[%swap3A_335], %broadcast_in_dim3A_3 {strides = array<i32>} : memref<1024xf32, #tpu.memory_space<vmem>>, vector<16xf32>,
    %swap3A_337 = arith.constant 880 : index
    %swap3A_338 = tpu.vector_load %arg9[%swap3A_337] {strides = array<i32>} : memref<1024xf32, #tpu.memory_space<vmem>>, vector<16xf32>,
    tpu.vector_store %arg9[%swap3A_337], %broadcast_in_dim3A_3 {strides = array<i32>} : memref<1024xf32, #tpu.memory_space<vmem>>, vector<16xf32>,
    %swap3A_339 = arith.constant 896 : index
    %swap3A_340 = tpu.vector_load %arg7[%swap3A_339] {strides = array<i32>} : memref<1024xf32, #tpu.memory_space<vmem>>, vector<16xf32>,
    tpu.vector_store %arg7[%swap3A_339], %broadcast_in_dim3A_3 {strides = array<i32>} : memref<1024xf32, #tpu.memory_space<vmem>>, vector<16xf32>,
    %swap3A_341 = arith.constant 896 : index
    %swap3A_342 = tpu.vector_load %arg8[%swap3A_341] {strides = array<i32>} : memref<1024xf32, #tpu.memory_space<vmem>>, vector<16xf32>,
    tpu.vector_store %arg8[%swap3A_341], %broadcast_in_dim3A_3 {strides = array<i32>} : memref<1024xf32, #tpu.memory_space<vmem>>, vector<16xf32>,
    %swap3A_343 = arith.constant 896 : index
    %swap3A_344 = tpu.vector_load %arg9[%swap3A_343] {strides = array<i32>} : memref<1024xf32, #tpu.memory_space<vmem>>, vector<16xf32>,
    tpu.vector_store %arg9[%swap3A_343], %broadcast_in_dim3A_3 {strides = array<i32>} : memref<1024xf32, #tpu.memory_space<vmem>>, vector<16xf32>,
    %swap3A_345 = arith.constant 912 : index
    %swap3A_346 = tpu.vector_load %arg7[%swap3A_345] {strides = array<i32>} : memref<1024xf32, #tpu.memory_space<vmem>>, vector<16xf32>,
    tpu.vector_store %arg7[%swap3A_345], %broadcast_in_dim3A_3 {strides = array<i32>} : memref<1024xf32, #tpu.memory_space<vmem>>, vector<16xf32>,
    %swap3A_347 = arith.constant 912 : index
    %swap3A_348 = tpu.vector_load %arg8[%swap3A_347] {strides = array<i32>} : memref<1024xf32, #tpu.memory_space<vmem>>, vector<16xf32>,
    tpu.vector_store %arg8[%swap3A_347], %broadcast_in_dim3A_3 {strides = array<i32>} : memref<1024xf32, #tpu.memory_space<vmem>>, vector<16xf32>,
    %swap3A_349 = arith.constant 912 : index
    %swap3A_350 = tpu.vector_load %arg9[%swap3A_349] {strides = array<i32>} : memref<1024xf32, #tpu.memory_space<vmem>>, vector<16xf32>,
    tpu.vector_store %arg9[%swap3A_349], %broadcast_in_dim3A_3 {strides = array<i32>} : memref<1024xf32, #tpu.memory_space<vmem>>, vector<16xf32>,
    %swap3A_351 = arith.constant 928 : index
    %swap3A_352 = tpu.vector_load %arg7[%swap3A_351] {strides = array<i32>} : memref<1024xf32, #tpu.memory_space<vmem>>, vector<16xf32>,
    tpu.vector_store %arg7[%swap3A_351], %broadcast_in_dim3A_3 {strides = array<i32>} : memref<1024xf32, #tpu.memory_space<vmem>>, vector<16xf32>,
    %swap3A_353 = arith.constant 928 : index
    %swap3A_354 = tpu.vector_load %arg8[%swap3A_353] {strides = array<i32>} : memref<1024xf32, #tpu.memory_space<vmem>>, vector<16xf32>,
    tpu.vector_store %arg8[%swap3A_353], %broadcast_in_dim3A_3 {strides = array<i32>} : memref<1024xf32, #tpu.memory_space<vmem>>, vector<16xf32>,
    %swap3A_355 = arith.constant 928 : index
    %swap3A_356 = tpu.vector_load %arg9[%swap3A_355] {strides = array<i32>} : memref<1024xf32, #tpu.memory_space<vmem>>, vector<16xf32>,
    tpu.vector_store %arg9[%swap3A_355], %broadcast_in_dim3A_3 {strides = array<i32>} : memref<1024xf32, #tpu.memory_space<vmem>>, vector<16xf32>,
    %swap3A_357 = arith.constant 944 : index
    %swap3A_358 = tpu.vector_load %arg7[%swap3A_357] {strides = array<i32>} : memref<1024xf32, #tpu.memory_space<vmem>>, vector<16xf32>,
    tpu.vector_store %arg7[%swap3A_357], %broadcast_in_dim3A_3 {strides = array<i32>} : memref<1024xf32, #tpu.memory_space<vmem>>, vector<16xf32>,
    %swap3A_359 = arith.constant 944 : index
    %swap3A_360 = tpu.vector_load %arg8[%swap3A_359] {strides = array<i32>} : memref<1024xf32, #tpu.memory_space<vmem>>, vector<16xf32>,
    tpu.vector_store %arg8[%swap3A_359], %broadcast_in_dim3A_3 {strides = array<i32>} : memref<1024xf32, #tpu.memory_space<vmem>>, vector<16xf32>,
    %swap3A_361 = arith.constant 944 : index
    %swap3A_362 = tpu.vector_load %arg9[%swap3A_361] {strides = array<i32>} : memref<1024xf32, #tpu.memory_space<vmem>>, vector<16xf32>,
    tpu.vector_store %arg9[%swap3A_361], %broadcast_in_dim3A_3 {strides = array<i32>} : memref<1024xf32, #tpu.memory_space<vmem>>, vector<16xf32>,
    %swap3A_363 = arith.constant 960 : index
    %swap3A_364 = tpu.vector_load %arg7[%swap3A_363] {strides = array<i32>} : memref<1024xf32, #tpu.memory_space<vmem>>, vector<16xf32>,
    tpu.vector_store %arg7[%swap3A_363], %broadcast_in_dim3A_3 {strides = array<i32>} : memref<1024xf32, #tpu.memory_space<vmem>>, vector<16xf32>,
    %swap3A_365 = arith.constant 960 : index
    %swap3A_366 = tpu.vector_load %arg8[%swap3A_365] {strides = array<i32>} : memref<1024xf32, #tpu.memory_space<vmem>>, vector<16xf32>,
    tpu.vector_store %arg8[%swap3A_365], %broadcast_in_dim3A_3 {strides = array<i32>} : memref<1024xf32, #tpu.memory_space<vmem>>, vector<16xf32>,
    %swap3A_367 = arith.constant 960 : index
    %swap3A_368 = tpu.vector_load %arg9[%swap3A_367] {strides = array<i32>} : memref<1024xf32, #tpu.memory_space<vmem>>, vector<16xf32>,
    tpu.vector_store %arg9[%swap3A_367], %broadcast_in_dim3A_3 {strides = array<i32>} : memref<1024xf32, #tpu.memory_space<vmem>>, vector<16xf32>,
    %swap3A_369 = arith.constant 976 : index
    %swap3A_370 = tpu.vector_load %arg7[%swap3A_369] {strides = array<i32>} : memref<1024xf32, #tpu.memory_space<vmem>>, vector<16xf32>,
    tpu.vector_store %arg7[%swap3A_369], %broadcast_in_dim3A_3 {strides = array<i32>} : memref<1024xf32, #tpu.memory_space<vmem>>, vector<16xf32>,
    %swap3A_371 = arith.constant 976 : index
    %swap3A_372 = tpu.vector_load %arg8[%swap3A_371] {strides = array<i32>} : memref<1024xf32, #tpu.memory_space<vmem>>, vector<16xf32>,
    tpu.vector_store %arg8[%swap3A_371], %broadcast_in_dim3A_3 {strides = array<i32>} : memref<1024xf32, #tpu.memory_space<vmem>>, vector<16xf32>,
    %swap3A_373 = arith.constant 976 : index
    %swap3A_374 = tpu.vector_load %arg9[%swap3A_373] {strides = array<i32>} : memref<1024xf32, #tpu.memory_space<vmem>>, vector<16xf32>,
    tpu.vector_store %arg9[%swap3A_373], %broadcast_in_dim3A_3 {strides = array<i32>} : memref<1024xf32, #tpu.memory_space<vmem>>, vector<16xf32>,
    %swap3A_375 = arith.constant 992 : index
    %swap3A_376 = tpu.vector_load %arg7[%swap3A_375] {strides = array<i32>} : memref<1024xf32, #tpu.memory_space<vmem>>, vector<16xf32>,
    tpu.vector_store %arg7[%swap3A_375], %broadcast_in_dim3A_3 {strides = array<i32>} : memref<1024xf32, #tpu.memory_space<vmem>>, vector<16xf32>,
    %swap3A_377 = arith.constant 992 : index
    %swap3A_378 = tpu.vector_load %arg8[%swap3A_377] {strides = array<i32>} : memref<1024xf32, #tpu.memory_space<vmem>>, vector<16xf32>,
    tpu.vector_store %arg8[%swap3A_377], %broadcast_in_dim3A_3 {strides = array<i32>} : memref<1024xf32, #tpu.memory_space<vmem>>, vector<16xf32>,
    %swap3A_379 = arith.constant 992 : index
    %swap3A_380 = tpu.vector_load %arg9[%swap3A_379] {strides = array<i32>} : memref<1024xf32, #tpu.memory_space<vmem>>, vector<16xf32>,
    tpu.vector_store %arg9[%swap3A_379], %broadcast_in_dim3A_3 {strides = array<i32>} : memref<1024xf32, #tpu.memory_space<vmem>>, vector<16xf32>,
    %swap3A_381 = arith.constant 1008 : index
    %swap3A_382 = tpu.vector_load %arg7[%swap3A_381] {strides = array<i32>} : memref<1024xf32, #tpu.memory_space<vmem>>, vector<16xf32>,
    tpu.vector_store %arg7[%swap3A_381], %broadcast_in_dim3A_3 {strides = array<i32>} : memref<1024xf32, #tpu.memory_space<vmem>>, vector<16xf32>,
    %swap3A_383 = arith.constant 1008 : index
    %swap3A_384 = tpu.vector_load %arg8[%swap3A_383] {strides = array<i32>} : memref<1024xf32, #tpu.memory_space<vmem>>, vector<16xf32>,
    tpu.vector_store %arg8[%swap3A_383], %broadcast_in_dim3A_3 {strides = array<i32>} : memref<1024xf32, #tpu.memory_space<vmem>>, vector<16xf32>,
    %swap3A_385 = arith.constant 1008 : index
    %swap3A_386 = tpu.vector_load %arg9[%swap3A_385] {strides = array<i32>} : memref<1024xf32, #tpu.memory_space<vmem>>, vector<16xf32>,
    tpu.vector_store %arg9[%swap3A_385], %broadcast_in_dim3A_3 {strides = array<i32>} : memref<1024xf32, #tpu.memory_space<vmem>>, vector<16xf32>,
    %broadcast_in_dim3A_387 = arith.constant 1.000000e+00 : f32
    %broadcast_in_dim3A_388 = vector.broadcast %broadcast_in_dim3A_387 : f32 to vector<16xf32>
    %get3A = arith.constant 0 : index
    %get3A_389 = tpu.vector_load %arg5[%get3A] {strides = array<i32>} : memref<512xi32, #tpu.memory_space<vmem>>, vector<16xi32>,
    %get3A_390 = arith.constant 0 : index
    %get3A_391 = tpu.vector_load %arg6[%get3A_390] {strides = array<i32>} : memref<512xi32, #tpu.memory_space<vmem>>, vector<16xi32>,
    tpu.vector_store_idx %arg8[%get3A_389], %broadcast_in_dim3A_388 {add = true} : memref<1024xf32, #tpu.memory_space<vmem>>[vector<16xi32>], vector<16xf32>,
    tpu.vector_store_idx %arg7[%get3A_391], %broadcast_in_dim3A_388 {add = true} : memref<1024xf32, #tpu.memory_space<vmem>>[vector<16xi32>], vector<16xf32>,
    %eq3A = arith.cmpi eq, %get3A_389, %get3A_391 : vector<16xi32>
    tpu.vector_store_idx %arg9[%get3A_391], %broadcast_in_dim3A_388 masked %eq3A {add = true} : memref<1024xf32, #tpu.memory_space<vmem>>[vector<16xi32>], vector<16xf32>, vector<16xi1>
    %get3A_392 = arith.constant 16 : index
    %get3A_393 = tpu.vector_load %arg5[%get3A_392] {strides = array<i32>} : memref<512xi32, #tpu.memory_space<vmem>>, vector<16xi32>,
    %get3A_394 = arith.constant 16 : index
    %get3A_395 = tpu.vector_load %arg6[%get3A_394] {strides = array<i32>} : memref<512xi32, #tpu.memory_space<vmem>>, vector<16xi32>,
    tpu.vector_store_idx %arg8[%get3A_393], %broadcast_in_dim3A_388 {add = true} : memref<1024xf32, #tpu.memory_space<vmem>>[vector<16xi32>], vector<16xf32>,
    tpu.vector_store_idx %arg7[%get3A_395], %broadcast_in_dim3A_388 {add = true} : memref<1024xf32, #tpu.memory_space<vmem>>[vector<16xi32>], vector<16xf32>,
    %eq3A_396 = arith.cmpi eq, %get3A_393, %get3A_395 : vector<16xi32>
    tpu.vector_store_idx %arg9[%get3A_395], %broadcast_in_dim3A_388 masked %eq3A_396 {add = true} : memref<1024xf32, #tpu.memory_space<vmem>>[vector<16xi32>], vector<16xf32>, vector<16xi1>
    %get3A_397 = arith.constant 32 : index
    %get3A_398 = tpu.vector_load %arg5[%get3A_397] {strides = array<i32>} : memref<512xi32, #tpu.memory_space<vmem>>, vector<16xi32>,
    %get3A_399 = arith.constant 32 : index
    %get3A_400 = tpu.vector_load %arg6[%get3A_399] {strides = array<i32>} : memref<512xi32, #tpu.memory_space<vmem>>, vector<16xi32>,
    tpu.vector_store_idx %arg8[%get3A_398], %broadcast_in_dim3A_388 {add = true} : memref<1024xf32, #tpu.memory_space<vmem>>[vector<16xi32>], vector<16xf32>,
    tpu.vector_store_idx %arg7[%get3A_400], %broadcast_in_dim3A_388 {add = true} : memref<1024xf32, #tpu.memory_space<vmem>>[vector<16xi32>], vector<16xf32>,
    %eq3A_401 = arith.cmpi eq, %get3A_398, %get3A_400 : vector<16xi32>
    tpu.vector_store_idx %arg9[%get3A_400], %broadcast_in_dim3A_388 masked %eq3A_401 {add = true} : memref<1024xf32, #tpu.memory_space<vmem>>[vector<16xi32>], vector<16xf32>, vector<16xi1>
    %get3A_402 = arith.constant 48 : index
    %get3A_403 = tpu.vector_load %arg5[%get3A_402] {strides = array<i32>} : memref<512xi32, #tpu.memory_space<vmem>>, vector<16xi32>,
    %get3A_404 = arith.constant 48 : index
    %get3A_405 = tpu.vector_load %arg6[%get3A_404] {strides = array<i32>} : memref<512xi32, #tpu.memory_space<vmem>>, vector<16xi32>,
    tpu.vector_store_idx %arg8[%get3A_403], %broadcast_in_dim3A_388 {add = true} : memref<1024xf32, #tpu.memory_space<vmem>>[vector<16xi32>], vector<16xf32>,
    tpu.vector_store_idx %arg7[%get3A_405], %broadcast_in_dim3A_388 {add = true} : memref<1024xf32, #tpu.memory_space<vmem>>[vector<16xi32>], vector<16xf32>,
    %eq3A_406 = arith.cmpi eq, %get3A_403, %get3A_405 : vector<16xi32>
    tpu.vector_store_idx %arg9[%get3A_405], %broadcast_in_dim3A_388 masked %eq3A_406 {add = true} : memref<1024xf32, #tpu.memory_space<vmem>>[vector<16xi32>], vector<16xf32>, vector<16xi1>
    %get3A_407 = arith.constant 64 : index
    %get3A_408 = tpu.vector_load %arg5[%get3A_407] {strides = array<i32>} : memref<512xi32, #tpu.memory_space<vmem>>, vector<16xi32>,
    %get3A_409 = arith.constant 64 : index
    %get3A_410 = tpu.vector_load %arg6[%get3A_409] {strides = array<i32>} : memref<512xi32, #tpu.memory_space<vmem>>, vector<16xi32>,
    tpu.vector_store_idx %arg8[%get3A_408], %broadcast_in_dim3A_388 {add = true} : memref<1024xf32, #tpu.memory_space<vmem>>[vector<16xi32>], vector<16xf32>,
    tpu.vector_store_idx %arg7[%get3A_410], %broadcast_in_dim3A_388 {add = true} : memref<1024xf32, #tpu.memory_space<vmem>>[vector<16xi32>], vector<16xf32>,
    %eq3A_411 = arith.cmpi eq, %get3A_408, %get3A_410 : vector<16xi32>
    tpu.vector_store_idx %arg9[%get3A_410], %broadcast_in_dim3A_388 masked %eq3A_411 {add = true} : memref<1024xf32, #tpu.memory_space<vmem>>[vector<16xi32>], vector<16xf32>, vector<16xi1>
    %get3A_412 = arith.constant 80 : index
    %get3A_413 = tpu.vector_load %arg5[%get3A_412] {strides = array<i32>} : memref<512xi32, #tpu.memory_space<vmem>>, vector<16xi32>,
    %get3A_414 = arith.constant 80 : index
    %get3A_415 = tpu.vector_load %arg6[%get3A_414] {strides = array<i32>} : memref<512xi32, #tpu.memory_space<vmem>>, vector<16xi32>,
    tpu.vector_store_idx %arg8[%get3A_413], %broadcast_in_dim3A_388 {add = true} : memref<1024xf32, #tpu.memory_space<vmem>>[vector<16xi32>], vector<16xf32>,
    tpu.vector_store_idx %arg7[%get3A_415], %broadcast_in_dim3A_388 {add = true} : memref<1024xf32, #tpu.memory_space<vmem>>[vector<16xi32>], vector<16xf32>,
    %eq3A_416 = arith.cmpi eq, %get3A_413, %get3A_415 : vector<16xi32>
    tpu.vector_store_idx %arg9[%get3A_415], %broadcast_in_dim3A_388 masked %eq3A_416 {add = true} : memref<1024xf32, #tpu.memory_space<vmem>>[vector<16xi32>], vector<16xf32>, vector<16xi1>
    %get3A_417 = arith.constant 96 : index
    %get3A_418 = tpu.vector_load %arg5[%get3A_417] {strides = array<i32>} : memref<512xi32, #tpu.memory_space<vmem>>, vector<16xi32>,
    %get3A_419 = arith.constant 96 : index
    %get3A_420 = tpu.vector_load %arg6[%get3A_419] {strides = array<i32>} : memref<512xi32, #tpu.memory_space<vmem>>, vector<16xi32>,
    tpu.vector_store_idx %arg8[%get3A_418], %broadcast_in_dim3A_388 {add = true} : memref<1024xf32, #tpu.memory_space<vmem>>[vector<16xi32>], vector<16xf32>,
    tpu.vector_store_idx %arg7[%get3A_420], %broadcast_in_dim3A_388 {add = true} : memref<1024xf32, #tpu.memory_space<vmem>>[vector<16xi32>], vector<16xf32>,
    %eq3A_421 = arith.cmpi eq, %get3A_418, %get3A_420 : vector<16xi32>
    tpu.vector_store_idx %arg9[%get3A_420], %broadcast_in_dim3A_388 masked %eq3A_421 {add = true} : memref<1024xf32, #tpu.memory_space<vmem>>[vector<16xi32>], vector<16xf32>, vector<16xi1>
    %get3A_422 = arith.constant 112 : index
    %get3A_423 = tpu.vector_load %arg5[%get3A_422] {strides = array<i32>} : memref<512xi32, #tpu.memory_space<vmem>>, vector<16xi32>,
    %get3A_424 = arith.constant 112 : index
    %get3A_425 = tpu.vector_load %arg6[%get3A_424] {strides = array<i32>} : memref<512xi32, #tpu.memory_space<vmem>>, vector<16xi32>,
    tpu.vector_store_idx %arg8[%get3A_423], %broadcast_in_dim3A_388 {add = true} : memref<1024xf32, #tpu.memory_space<vmem>>[vector<16xi32>], vector<16xf32>,
    tpu.vector_store_idx %arg7[%get3A_425], %broadcast_in_dim3A_388 {add = true} : memref<1024xf32, #tpu.memory_space<vmem>>[vector<16xi32>], vector<16xf32>,
    %eq3A_426 = arith.cmpi eq, %get3A_423, %get3A_425 : vector<16xi32>
    tpu.vector_store_idx %arg9[%get3A_425], %broadcast_in_dim3A_388 masked %eq3A_426 {add = true} : memref<1024xf32, #tpu.memory_space<vmem>>[vector<16xi32>], vector<16xf32>, vector<16xi1>
    %get3A_427 = arith.constant 128 : index
    %get3A_428 = tpu.vector_load %arg5[%get3A_427] {strides = array<i32>} : memref<512xi32, #tpu.memory_space<vmem>>, vector<16xi32>,
    %get3A_429 = arith.constant 128 : index
    %get3A_430 = tpu.vector_load %arg6[%get3A_429] {strides = array<i32>} : memref<512xi32, #tpu.memory_space<vmem>>, vector<16xi32>,
    tpu.vector_store_idx %arg8[%get3A_428], %broadcast_in_dim3A_388 {add = true} : memref<1024xf32, #tpu.memory_space<vmem>>[vector<16xi32>], vector<16xf32>,
    tpu.vector_store_idx %arg7[%get3A_430], %broadcast_in_dim3A_388 {add = true} : memref<1024xf32, #tpu.memory_space<vmem>>[vector<16xi32>], vector<16xf32>,
    %eq3A_431 = arith.cmpi eq, %get3A_428, %get3A_430 : vector<16xi32>
    tpu.vector_store_idx %arg9[%get3A_430], %broadcast_in_dim3A_388 masked %eq3A_431 {add = true} : memref<1024xf32, #tpu.memory_space<vmem>>[vector<16xi32>], vector<16xf32>, vector<16xi1>
    %get3A_432 = arith.constant 144 : index
    %get3A_433 = tpu.vector_load %arg5[%get3A_432] {strides = array<i32>} : memref<512xi32, #tpu.memory_space<vmem>>, vector<16xi32>,
    %get3A_434 = arith.constant 144 : index
    %get3A_435 = tpu.vector_load %arg6[%get3A_434] {strides = array<i32>} : memref<512xi32, #tpu.memory_space<vmem>>, vector<16xi32>,
    tpu.vector_store_idx %arg8[%get3A_433], %broadcast_in_dim3A_388 {add = true} : memref<1024xf32, #tpu.memory_space<vmem>>[vector<16xi32>], vector<16xf32>,
    tpu.vector_store_idx %arg7[%get3A_435], %broadcast_in_dim3A_388 {add = true} : memref<1024xf32, #tpu.memory_space<vmem>>[vector<16xi32>], vector<16xf32>,
    %eq3A_436 = arith.cmpi eq, %get3A_433, %get3A_435 : vector<16xi32>
    tpu.vector_store_idx %arg9[%get3A_435], %broadcast_in_dim3A_388 masked %eq3A_436 {add = true} : memref<1024xf32, #tpu.memory_space<vmem>>[vector<16xi32>], vector<16xf32>, vector<16xi1>
    %get3A_437 = arith.constant 160 : index
    %get3A_438 = tpu.vector_load %arg5[%get3A_437] {strides = array<i32>} : memref<512xi32, #tpu.memory_space<vmem>>, vector<16xi32>,
    %get3A_439 = arith.constant 160 : index
    %get3A_440 = tpu.vector_load %arg6[%get3A_439] {strides = array<i32>} : memref<512xi32, #tpu.memory_space<vmem>>, vector<16xi32>,
    tpu.vector_store_idx %arg8[%get3A_438], %broadcast_in_dim3A_388 {add = true} : memref<1024xf32, #tpu.memory_space<vmem>>[vector<16xi32>], vector<16xf32>,
    tpu.vector_store_idx %arg7[%get3A_440], %broadcast_in_dim3A_388 {add = true} : memref<1024xf32, #tpu.memory_space<vmem>>[vector<16xi32>], vector<16xf32>,
    %eq3A_441 = arith.cmpi eq, %get3A_438, %get3A_440 : vector<16xi32>
    tpu.vector_store_idx %arg9[%get3A_440], %broadcast_in_dim3A_388 masked %eq3A_441 {add = true} : memref<1024xf32, #tpu.memory_space<vmem>>[vector<16xi32>], vector<16xf32>, vector<16xi1>
    %get3A_442 = arith.constant 176 : index
    %get3A_443 = tpu.vector_load %arg5[%get3A_442] {strides = array<i32>} : memref<512xi32, #tpu.memory_space<vmem>>, vector<16xi32>,
    %get3A_444 = arith.constant 176 : index
    %get3A_445 = tpu.vector_load %arg6[%get3A_444] {strides = array<i32>} : memref<512xi32, #tpu.memory_space<vmem>>, vector<16xi32>,
    tpu.vector_store_idx %arg8[%get3A_443], %broadcast_in_dim3A_388 {add = true} : memref<1024xf32, #tpu.memory_space<vmem>>[vector<16xi32>], vector<16xf32>,
    tpu.vector_store_idx %arg7[%get3A_445], %broadcast_in_dim3A_388 {add = true} : memref<1024xf32, #tpu.memory_space<vmem>>[vector<16xi32>], vector<16xf32>,
    %eq3A_446 = arith.cmpi eq, %get3A_443, %get3A_445 : vector<16xi32>
    tpu.vector_store_idx %arg9[%get3A_445], %broadcast_in_dim3A_388 masked %eq3A_446 {add = true} : memref<1024xf32, #tpu.memory_space<vmem>>[vector<16xi32>], vector<16xf32>, vector<16xi1>
    %get3A_447 = arith.constant 192 : index
    %get3A_448 = tpu.vector_load %arg5[%get3A_447] {strides = array<i32>} : memref<512xi32, #tpu.memory_space<vmem>>, vector<16xi32>,
    %get3A_449 = arith.constant 192 : index
    %get3A_450 = tpu.vector_load %arg6[%get3A_449] {strides = array<i32>} : memref<512xi32, #tpu.memory_space<vmem>>, vector<16xi32>,
    tpu.vector_store_idx %arg8[%get3A_448], %broadcast_in_dim3A_388 {add = true} : memref<1024xf32, #tpu.memory_space<vmem>>[vector<16xi32>], vector<16xf32>,
    tpu.vector_store_idx %arg7[%get3A_450], %broadcast_in_dim3A_388 {add = true} : memref<1024xf32, #tpu.memory_space<vmem>>[vector<16xi32>], vector<16xf32>,
    %eq3A_451 = arith.cmpi eq, %get3A_448, %get3A_450 : vector<16xi32>
    tpu.vector_store_idx %arg9[%get3A_450], %broadcast_in_dim3A_388 masked %eq3A_451 {add = true} : memref<1024xf32, #tpu.memory_space<vmem>>[vector<16xi32>], vector<16xf32>, vector<16xi1>
    %get3A_452 = arith.constant 208 : index
    %get3A_453 = tpu.vector_load %arg5[%get3A_452] {strides = array<i32>} : memref<512xi32, #tpu.memory_space<vmem>>, vector<16xi32>,
    %get3A_454 = arith.constant 208 : index
    %get3A_455 = tpu.vector_load %arg6[%get3A_454] {strides = array<i32>} : memref<512xi32, #tpu.memory_space<vmem>>, vector<16xi32>,
    tpu.vector_store_idx %arg8[%get3A_453], %broadcast_in_dim3A_388 {add = true} : memref<1024xf32, #tpu.memory_space<vmem>>[vector<16xi32>], vector<16xf32>,
    tpu.vector_store_idx %arg7[%get3A_455], %broadcast_in_dim3A_388 {add = true} : memref<1024xf32, #tpu.memory_space<vmem>>[vector<16xi32>], vector<16xf32>,
    %eq3A_456 = arith.cmpi eq, %get3A_453, %get3A_455 : vector<16xi32>
    tpu.vector_store_idx %arg9[%get3A_455], %broadcast_in_dim3A_388 masked %eq3A_456 {add = true} : memref<1024xf32, #tpu.memory_space<vmem>>[vector<16xi32>], vector<16xf32>, vector<16xi1>
    %get3A_457 = arith.constant 224 : index
    %get3A_458 = tpu.vector_load %arg5[%get3A_457] {strides = array<i32>} : memref<512xi32, #tpu.memory_space<vmem>>, vector<16xi32>,
    %get3A_459 = arith.constant 224 : index
    %get3A_460 = tpu.vector_load %arg6[%get3A_459] {strides = array<i32>} : memref<512xi32, #tpu.memory_space<vmem>>, vector<16xi32>,
    tpu.vector_store_idx %arg8[%get3A_458], %broadcast_in_dim3A_388 {add = true} : memref<1024xf32, #tpu.memory_space<vmem>>[vector<16xi32>], vector<16xf32>,
    tpu.vector_store_idx %arg7[%get3A_460], %broadcast_in_dim3A_388 {add = true} : memref<1024xf32, #tpu.memory_space<vmem>>[vector<16xi32>], vector<16xf32>,
    %eq3A_461 = arith.cmpi eq, %get3A_458, %get3A_460 : vector<16xi32>
    tpu.vector_store_idx %arg9[%get3A_460], %broadcast_in_dim3A_388 masked %eq3A_461 {add = true} : memref<1024xf32, #tpu.memory_space<vmem>>[vector<16xi32>], vector<16xf32>, vector<16xi1>
    %get3A_462 = arith.constant 240 : index
    %get3A_463 = tpu.vector_load %arg5[%get3A_462] {strides = array<i32>} : memref<512xi32, #tpu.memory_space<vmem>>, vector<16xi32>,
    %get3A_464 = arith.constant 240 : index
    %get3A_465 = tpu.vector_load %arg6[%get3A_464] {strides = array<i32>} : memref<512xi32, #tpu.memory_space<vmem>>, vector<16xi32>,
    tpu.vector_store_idx %arg8[%get3A_463], %broadcast_in_dim3A_388 {add = true} : memref<1024xf32, #tpu.memory_space<vmem>>[vector<16xi32>], vector<16xf32>,
    tpu.vector_store_idx %arg7[%get3A_465], %broadcast_in_dim3A_388 {add = true} : memref<1024xf32, #tpu.memory_space<vmem>>[vector<16xi32>], vector<16xf32>,
    %eq3A_466 = arith.cmpi eq, %get3A_463, %get3A_465 : vector<16xi32>
    tpu.vector_store_idx %arg9[%get3A_465], %broadcast_in_dim3A_388 masked %eq3A_466 {add = true} : memref<1024xf32, #tpu.memory_space<vmem>>[vector<16xi32>], vector<16xf32>, vector<16xi1>
    %get3A_467 = arith.constant 256 : index
    %get3A_468 = tpu.vector_load %arg5[%get3A_467] {strides = array<i32>} : memref<512xi32, #tpu.memory_space<vmem>>, vector<16xi32>,
    %get3A_469 = arith.constant 256 : index
    %get3A_470 = tpu.vector_load %arg6[%get3A_469] {strides = array<i32>} : memref<512xi32, #tpu.memory_space<vmem>>, vector<16xi32>,
    tpu.vector_store_idx %arg8[%get3A_468], %broadcast_in_dim3A_388 {add = true} : memref<1024xf32, #tpu.memory_space<vmem>>[vector<16xi32>], vector<16xf32>,
    tpu.vector_store_idx %arg7[%get3A_470], %broadcast_in_dim3A_388 {add = true} : memref<1024xf32, #tpu.memory_space<vmem>>[vector<16xi32>], vector<16xf32>,
    %eq3A_471 = arith.cmpi eq, %get3A_468, %get3A_470 : vector<16xi32>
    tpu.vector_store_idx %arg9[%get3A_470], %broadcast_in_dim3A_388 masked %eq3A_471 {add = true} : memref<1024xf32, #tpu.memory_space<vmem>>[vector<16xi32>], vector<16xf32>, vector<16xi1>
    %get3A_472 = arith.constant 272 : index
    %get3A_473 = tpu.vector_load %arg5[%get3A_472] {strides = array<i32>} : memref<512xi32, #tpu.memory_space<vmem>>, vector<16xi32>,
    %get3A_474 = arith.constant 272 : index
    %get3A_475 = tpu.vector_load %arg6[%get3A_474] {strides = array<i32>} : memref<512xi32, #tpu.memory_space<vmem>>, vector<16xi32>,
    tpu.vector_store_idx %arg8[%get3A_473], %broadcast_in_dim3A_388 {add = true} : memref<1024xf32, #tpu.memory_space<vmem>>[vector<16xi32>], vector<16xf32>,
    tpu.vector_store_idx %arg7[%get3A_475], %broadcast_in_dim3A_388 {add = true} : memref<1024xf32, #tpu.memory_space<vmem>>[vector<16xi32>], vector<16xf32>,
    %eq3A_476 = arith.cmpi eq, %get3A_473, %get3A_475 : vector<16xi32>
    tpu.vector_store_idx %arg9[%get3A_475], %broadcast_in_dim3A_388 masked %eq3A_476 {add = true} : memref<1024xf32, #tpu.memory_space<vmem>>[vector<16xi32>], vector<16xf32>, vector<16xi1>
    %get3A_477 = arith.constant 288 : index
    %get3A_478 = tpu.vector_load %arg5[%get3A_477] {strides = array<i32>} : memref<512xi32, #tpu.memory_space<vmem>>, vector<16xi32>,
    %get3A_479 = arith.constant 288 : index
    %get3A_480 = tpu.vector_load %arg6[%get3A_479] {strides = array<i32>} : memref<512xi32, #tpu.memory_space<vmem>>, vector<16xi32>,
    tpu.vector_store_idx %arg8[%get3A_478], %broadcast_in_dim3A_388 {add = true} : memref<1024xf32, #tpu.memory_space<vmem>>[vector<16xi32>], vector<16xf32>,
    tpu.vector_store_idx %arg7[%get3A_480], %broadcast_in_dim3A_388 {add = true} : memref<1024xf32, #tpu.memory_space<vmem>>[vector<16xi32>], vector<16xf32>,
    %eq3A_481 = arith.cmpi eq, %get3A_478, %get3A_480 : vector<16xi32>
    tpu.vector_store_idx %arg9[%get3A_480], %broadcast_in_dim3A_388 masked %eq3A_481 {add = true} : memref<1024xf32, #tpu.memory_space<vmem>>[vector<16xi32>], vector<16xf32>, vector<16xi1>
    %get3A_482 = arith.constant 304 : index
    %get3A_483 = tpu.vector_load %arg5[%get3A_482] {strides = array<i32>} : memref<512xi32, #tpu.memory_space<vmem>>, vector<16xi32>,
    %get3A_484 = arith.constant 304 : index
    %get3A_485 = tpu.vector_load %arg6[%get3A_484] {strides = array<i32>} : memref<512xi32, #tpu.memory_space<vmem>>, vector<16xi32>,
    tpu.vector_store_idx %arg8[%get3A_483], %broadcast_in_dim3A_388 {add = true} : memref<1024xf32, #tpu.memory_space<vmem>>[vector<16xi32>], vector<16xf32>,
    tpu.vector_store_idx %arg7[%get3A_485], %broadcast_in_dim3A_388 {add = true} : memref<1024xf32, #tpu.memory_space<vmem>>[vector<16xi32>], vector<16xf32>,
    %eq3A_486 = arith.cmpi eq, %get3A_483, %get3A_485 : vector<16xi32>
    tpu.vector_store_idx %arg9[%get3A_485], %broadcast_in_dim3A_388 masked %eq3A_486 {add = true} : memref<1024xf32, #tpu.memory_space<vmem>>[vector<16xi32>], vector<16xf32>, vector<16xi1>
    %get3A_487 = arith.constant 320 : index
    %get3A_488 = tpu.vector_load %arg5[%get3A_487] {strides = array<i32>} : memref<512xi32, #tpu.memory_space<vmem>>, vector<16xi32>,
    %get3A_489 = arith.constant 320 : index
    %get3A_490 = tpu.vector_load %arg6[%get3A_489] {strides = array<i32>} : memref<512xi32, #tpu.memory_space<vmem>>, vector<16xi32>,
    tpu.vector_store_idx %arg8[%get3A_488], %broadcast_in_dim3A_388 {add = true} : memref<1024xf32, #tpu.memory_space<vmem>>[vector<16xi32>], vector<16xf32>,
    tpu.vector_store_idx %arg7[%get3A_490], %broadcast_in_dim3A_388 {add = true} : memref<1024xf32, #tpu.memory_space<vmem>>[vector<16xi32>], vector<16xf32>,
    %eq3A_491 = arith.cmpi eq, %get3A_488, %get3A_490 : vector<16xi32>
    tpu.vector_store_idx %arg9[%get3A_490], %broadcast_in_dim3A_388 masked %eq3A_491 {add = true} : memref<1024xf32, #tpu.memory_space<vmem>>[vector<16xi32>], vector<16xf32>, vector<16xi1>
    %get3A_492 = arith.constant 336 : index
    %get3A_493 = tpu.vector_load %arg5[%get3A_492] {strides = array<i32>} : memref<512xi32, #tpu.memory_space<vmem>>, vector<16xi32>,
    %get3A_494 = arith.constant 336 : index
    %get3A_495 = tpu.vector_load %arg6[%get3A_494] {strides = array<i32>} : memref<512xi32, #tpu.memory_space<vmem>>, vector<16xi32>,
    tpu.vector_store_idx %arg8[%get3A_493], %broadcast_in_dim3A_388 {add = true} : memref<1024xf32, #tpu.memory_space<vmem>>[vector<16xi32>], vector<16xf32>,
    tpu.vector_store_idx %arg7[%get3A_495], %broadcast_in_dim3A_388 {add = true} : memref<1024xf32, #tpu.memory_space<vmem>>[vector<16xi32>], vector<16xf32>,
    %eq3A_496 = arith.cmpi eq, %get3A_493, %get3A_495 : vector<16xi32>
    tpu.vector_store_idx %arg9[%get3A_495], %broadcast_in_dim3A_388 masked %eq3A_496 {add = true} : memref<1024xf32, #tpu.memory_space<vmem>>[vector<16xi32>], vector<16xf32>, vector<16xi1>
    %get3A_497 = arith.constant 352 : index
    %get3A_498 = tpu.vector_load %arg5[%get3A_497] {strides = array<i32>} : memref<512xi32, #tpu.memory_space<vmem>>, vector<16xi32>,
    %get3A_499 = arith.constant 352 : index
    %get3A_500 = tpu.vector_load %arg6[%get3A_499] {strides = array<i32>} : memref<512xi32, #tpu.memory_space<vmem>>, vector<16xi32>,
    tpu.vector_store_idx %arg8[%get3A_498], %broadcast_in_dim3A_388 {add = true} : memref<1024xf32, #tpu.memory_space<vmem>>[vector<16xi32>], vector<16xf32>,
    tpu.vector_store_idx %arg7[%get3A_500], %broadcast_in_dim3A_388 {add = true} : memref<1024xf32, #tpu.memory_space<vmem>>[vector<16xi32>], vector<16xf32>,
    %eq3A_501 = arith.cmpi eq, %get3A_498, %get3A_500 : vector<16xi32>
    tpu.vector_store_idx %arg9[%get3A_500], %broadcast_in_dim3A_388 masked %eq3A_501 {add = true} : memref<1024xf32, #tpu.memory_space<vmem>>[vector<16xi32>], vector<16xf32>, vector<16xi1>
    %get3A_502 = arith.constant 368 : index
    %get3A_503 = tpu.vector_load %arg5[%get3A_502] {strides = array<i32>} : memref<512xi32, #tpu.memory_space<vmem>>, vector<16xi32>,
    %get3A_504 = arith.constant 368 : index
    %get3A_505 = tpu.vector_load %arg6[%get3A_504] {strides = array<i32>} : memref<512xi32, #tpu.memory_space<vmem>>, vector<16xi32>,
    tpu.vector_store_idx %arg8[%get3A_503], %broadcast_in_dim3A_388 {add = true} : memref<1024xf32, #tpu.memory_space<vmem>>[vector<16xi32>], vector<16xf32>,
    tpu.vector_store_idx %arg7[%get3A_505], %broadcast_in_dim3A_388 {add = true} : memref<1024xf32, #tpu.memory_space<vmem>>[vector<16xi32>], vector<16xf32>,
    %eq3A_506 = arith.cmpi eq, %get3A_503, %get3A_505 : vector<16xi32>
    tpu.vector_store_idx %arg9[%get3A_505], %broadcast_in_dim3A_388 masked %eq3A_506 {add = true} : memref<1024xf32, #tpu.memory_space<vmem>>[vector<16xi32>], vector<16xf32>, vector<16xi1>
    %get3A_507 = arith.constant 384 : index
    %get3A_508 = tpu.vector_load %arg5[%get3A_507] {strides = array<i32>} : memref<512xi32, #tpu.memory_space<vmem>>, vector<16xi32>,
    %get3A_509 = arith.constant 384 : index
    %get3A_510 = tpu.vector_load %arg6[%get3A_509] {strides = array<i32>} : memref<512xi32, #tpu.memory_space<vmem>>, vector<16xi32>,
    tpu.vector_store_idx %arg8[%get3A_508], %broadcast_in_dim3A_388 {add = true} : memref<1024xf32, #tpu.memory_space<vmem>>[vector<16xi32>], vector<16xf32>,
    tpu.vector_store_idx %arg7[%get3A_510], %broadcast_in_dim3A_388 {add = true} : memref<1024xf32, #tpu.memory_space<vmem>>[vector<16xi32>], vector<16xf32>,
    %eq3A_511 = arith.cmpi eq, %get3A_508, %get3A_510 : vector<16xi32>
    tpu.vector_store_idx %arg9[%get3A_510], %broadcast_in_dim3A_388 masked %eq3A_511 {add = true} : memref<1024xf32, #tpu.memory_space<vmem>>[vector<16xi32>], vector<16xf32>, vector<16xi1>
    %get3A_512 = arith.constant 400 : index
    %get3A_513 = tpu.vector_load %arg5[%get3A_512] {strides = array<i32>} : memref<512xi32, #tpu.memory_space<vmem>>, vector<16xi32>,
    %get3A_514 = arith.constant 400 : index
    %get3A_515 = tpu.vector_load %arg6[%get3A_514] {strides = array<i32>} : memref<512xi32, #tpu.memory_space<vmem>>, vector<16xi32>,
    tpu.vector_store_idx %arg8[%get3A_513], %broadcast_in_dim3A_388 {add = true} : memref<1024xf32, #tpu.memory_space<vmem>>[vector<16xi32>], vector<16xf32>,
    tpu.vector_store_idx %arg7[%get3A_515], %broadcast_in_dim3A_388 {add = true} : memref<1024xf32, #tpu.memory_space<vmem>>[vector<16xi32>], vector<16xf32>,
    %eq3A_516 = arith.cmpi eq, %get3A_513, %get3A_515 : vector<16xi32>
    tpu.vector_store_idx %arg9[%get3A_515], %broadcast_in_dim3A_388 masked %eq3A_516 {add = true} : memref<1024xf32, #tpu.memory_space<vmem>>[vector<16xi32>], vector<16xf32>, vector<16xi1>
    %get3A_517 = arith.constant 416 : index
    %get3A_518 = tpu.vector_load %arg5[%get3A_517] {strides = array<i32>} : memref<512xi32, #tpu.memory_space<vmem>>, vector<16xi32>,
    %get3A_519 = arith.constant 416 : index
    %get3A_520 = tpu.vector_load %arg6[%get3A_519] {strides = array<i32>} : memref<512xi32, #tpu.memory_space<vmem>>, vector<16xi32>,
    tpu.vector_store_idx %arg8[%get3A_518], %broadcast_in_dim3A_388 {add = true} : memref<1024xf32, #tpu.memory_space<vmem>>[vector<16xi32>], vector<16xf32>,
    tpu.vector_store_idx %arg7[%get3A_520], %broadcast_in_dim3A_388 {add = true} : memref<1024xf32, #tpu.memory_space<vmem>>[vector<16xi32>], vector<16xf32>,
    %eq3A_521 = arith.cmpi eq, %get3A_518, %get3A_520 : vector<16xi32>
    tpu.vector_store_idx %arg9[%get3A_520], %broadcast_in_dim3A_388 masked %eq3A_521 {add = true} : memref<1024xf32, #tpu.memory_space<vmem>>[vector<16xi32>], vector<16xf32>, vector<16xi1>
    %get3A_522 = arith.constant 432 : index
    %get3A_523 = tpu.vector_load %arg5[%get3A_522] {strides = array<i32>} : memref<512xi32, #tpu.memory_space<vmem>>, vector<16xi32>,
    %get3A_524 = arith.constant 432 : index
    %get3A_525 = tpu.vector_load %arg6[%get3A_524] {strides = array<i32>} : memref<512xi32, #tpu.memory_space<vmem>>, vector<16xi32>,
    tpu.vector_store_idx %arg8[%get3A_523], %broadcast_in_dim3A_388 {add = true} : memref<1024xf32, #tpu.memory_space<vmem>>[vector<16xi32>], vector<16xf32>,
    tpu.vector_store_idx %arg7[%get3A_525], %broadcast_in_dim3A_388 {add = true} : memref<1024xf32, #tpu.memory_space<vmem>>[vector<16xi32>], vector<16xf32>,
    %eq3A_526 = arith.cmpi eq, %get3A_523, %get3A_525 : vector<16xi32>
    tpu.vector_store_idx %arg9[%get3A_525], %broadcast_in_dim3A_388 masked %eq3A_526 {add = true} : memref<1024xf32, #tpu.memory_space<vmem>>[vector<16xi32>], vector<16xf32>, vector<16xi1>
    %get3A_527 = arith.constant 448 : index
    %get3A_528 = tpu.vector_load %arg5[%get3A_527] {strides = array<i32>} : memref<512xi32, #tpu.memory_space<vmem>>, vector<16xi32>,
    %get3A_529 = arith.constant 448 : index
    %get3A_530 = tpu.vector_load %arg6[%get3A_529] {strides = array<i32>} : memref<512xi32, #tpu.memory_space<vmem>>, vector<16xi32>,
    tpu.vector_store_idx %arg8[%get3A_528], %broadcast_in_dim3A_388 {add = true} : memref<1024xf32, #tpu.memory_space<vmem>>[vector<16xi32>], vector<16xf32>,
    tpu.vector_store_idx %arg7[%get3A_530], %broadcast_in_dim3A_388 {add = true} : memref<1024xf32, #tpu.memory_space<vmem>>[vector<16xi32>], vector<16xf32>,
    %eq3A_531 = arith.cmpi eq, %get3A_528, %get3A_530 : vector<16xi32>
    tpu.vector_store_idx %arg9[%get3A_530], %broadcast_in_dim3A_388 masked %eq3A_531 {add = true} : memref<1024xf32, #tpu.memory_space<vmem>>[vector<16xi32>], vector<16xf32>, vector<16xi1>
    %get3A_532 = arith.constant 464 : index
    %get3A_533 = tpu.vector_load %arg5[%get3A_532] {strides = array<i32>} : memref<512xi32, #tpu.memory_space<vmem>>, vector<16xi32>,
    %get3A_534 = arith.constant 464 : index
    %get3A_535 = tpu.vector_load %arg6[%get3A_534] {strides = array<i32>} : memref<512xi32, #tpu.memory_space<vmem>>, vector<16xi32>,
    tpu.vector_store_idx %arg8[%get3A_533], %broadcast_in_dim3A_388 {add = true} : memref<1024xf32, #tpu.memory_space<vmem>>[vector<16xi32>], vector<16xf32>,
    tpu.vector_store_idx %arg7[%get3A_535], %broadcast_in_dim3A_388 {add = true} : memref<1024xf32, #tpu.memory_space<vmem>>[vector<16xi32>], vector<16xf32>,
    %eq3A_536 = arith.cmpi eq, %get3A_533, %get3A_535 : vector<16xi32>
    tpu.vector_store_idx %arg9[%get3A_535], %broadcast_in_dim3A_388 masked %eq3A_536 {add = true} : memref<1024xf32, #tpu.memory_space<vmem>>[vector<16xi32>], vector<16xf32>, vector<16xi1>
    %get3A_537 = arith.constant 480 : index
    %get3A_538 = tpu.vector_load %arg5[%get3A_537] {strides = array<i32>} : memref<512xi32, #tpu.memory_space<vmem>>, vector<16xi32>,
    %get3A_539 = arith.constant 480 : index
    %get3A_540 = tpu.vector_load %arg6[%get3A_539] {strides = array<i32>} : memref<512xi32, #tpu.memory_space<vmem>>, vector<16xi32>,
    tpu.vector_store_idx %arg8[%get3A_538], %broadcast_in_dim3A_388 {add = true} : memref<1024xf32, #tpu.memory_space<vmem>>[vector<16xi32>], vector<16xf32>,
    tpu.vector_store_idx %arg7[%get3A_540], %broadcast_in_dim3A_388 {add = true} : memref<1024xf32, #tpu.memory_space<vmem>>[vector<16xi32>], vector<16xf32>,
    %eq3A_541 = arith.cmpi eq, %get3A_538, %get3A_540 : vector<16xi32>
    tpu.vector_store_idx %arg9[%get3A_540], %broadcast_in_dim3A_388 masked %eq3A_541 {add = true} : memref<1024xf32, #tpu.memory_space<vmem>>[vector<16xi32>], vector<16xf32>, vector<16xi1>
    %get3A_542 = arith.constant 496 : index
    %get3A_543 = tpu.vector_load %arg5[%get3A_542] {strides = array<i32>} : memref<512xi32, #tpu.memory_space<vmem>>, vector<16xi32>,
    %get3A_544 = arith.constant 496 : index
    %get3A_545 = tpu.vector_load %arg6[%get3A_544] {strides = array<i32>} : memref<512xi32, #tpu.memory_space<vmem>>, vector<16xi32>,
    tpu.vector_store_idx %arg8[%get3A_543], %broadcast_in_dim3A_388 {add = true} : memref<1024xf32, #tpu.memory_space<vmem>>[vector<16xi32>], vector<16xf32>,
    tpu.vector_store_idx %arg7[%get3A_545], %broadcast_in_dim3A_388 {add = true} : memref<1024xf32, #tpu.memory_space<vmem>>[vector<16xi32>], vector<16xf32>,
    %eq3A_546 = arith.cmpi eq, %get3A_543, %get3A_545 : vector<16xi32>
    tpu.vector_store_idx %arg9[%get3A_545], %broadcast_in_dim3A_388 masked %eq3A_546 {add = true} : memref<1024xf32, #tpu.memory_space<vmem>>[vector<16xi32>], vector<16xf32>, vector<16xi1>
    %mul3A_547 = arith.constant 3 : i32
    %mul3A_548 = arith.muli %add3A, %mul3A_547 : i32
    %mul3A_549 = arith.constant 1024 : i32
    %mul3A_550 = arith.muli %mul3A_548, %mul3A_549 : i32
    "tpu.region"() ({
      %run_scoped3A = tpu.sem_alloc : memref<!tpu.dma_semaphore, #tpu.memory_space<semaphore_mem>>
      %dma_start3A = tpu.memref_slice %arg4[%mul3A_550] : memref<98304xf32, #tpu.memory_space<hbm>> -> memref<1024xf32, #tpu.memory_space<hbm>>
      %dma_start3A_555 = tpu.memref_slice %arg4[%mul3A_550] : memref<98304xf32, #tpu.memory_space<hbm>> -> memref<1024xf32, #tpu.memory_space<hbm>>
      tpu.enqueue_dma source(%arg7 : memref<1024xf32, #tpu.memory_space<vmem>>) target(%dma_start3A_555 : memref<1024xf32, #tpu.memory_space<hbm>>) target_semaphore(%run_scoped3A : memref<!tpu.dma_semaphore, #tpu.memory_space<semaphore_mem>>)
      %dma_wait3A = tpu.memref_slice %arg4[%mul3A_550] : memref<98304xf32, #tpu.memory_space<hbm>> -> memref<1024xf32, #tpu.memory_space<hbm>>
      %dma_wait3A_556 = tpu.memref_slice %arg4[%mul3A_550] : memref<98304xf32, #tpu.memory_space<hbm>> -> memref<1024xf32, #tpu.memory_space<hbm>>
      tpu.wait_dma2 semaphore(%run_scoped3A : memref<!tpu.dma_semaphore, #tpu.memory_space<semaphore_mem>>) src(%arg7 : memref<1024xf32, #tpu.memory_space<vmem>>) dst(%dma_wait3A_556 : memref<1024xf32, #tpu.memory_space<hbm>>)
      tpu.yield
    }) : () -> ()
    %add3A_551 = arith.constant 1024 : i32
    %add3A_552 = arith.addi %mul3A_550, %add3A_551 : i32
    "tpu.region"() ({
      %run_scoped3A = tpu.sem_alloc : memref<!tpu.dma_semaphore, #tpu.memory_space<semaphore_mem>>
      %dma_start3A = tpu.memref_slice %arg4[%add3A_552] : memref<98304xf32, #tpu.memory_space<hbm>> -> memref<1024xf32, #tpu.memory_space<hbm>>
      %dma_start3A_555 = tpu.memref_slice %arg4[%add3A_552] : memref<98304xf32, #tpu.memory_space<hbm>> -> memref<1024xf32, #tpu.memory_space<hbm>>
      tpu.enqueue_dma source(%arg8 : memref<1024xf32, #tpu.memory_space<vmem>>) target(%dma_start3A_555 : memref<1024xf32, #tpu.memory_space<hbm>>) target_semaphore(%run_scoped3A : memref<!tpu.dma_semaphore, #tpu.memory_space<semaphore_mem>>)
      %dma_wait3A = tpu.memref_slice %arg4[%add3A_552] : memref<98304xf32, #tpu.memory_space<hbm>> -> memref<1024xf32, #tpu.memory_space<hbm>>
      %dma_wait3A_556 = tpu.memref_slice %arg4[%add3A_552] : memref<98304xf32, #tpu.memory_space<hbm>> -> memref<1024xf32, #tpu.memory_space<hbm>>
      tpu.wait_dma2 semaphore(%run_scoped3A : memref<!tpu.dma_semaphore, #tpu.memory_space<semaphore_mem>>) src(%arg8 : memref<1024xf32, #tpu.memory_space<vmem>>) dst(%dma_wait3A_556 : memref<1024xf32, #tpu.memory_space<hbm>>)
      tpu.yield
    }) : () -> ()
    %add3A_553 = arith.constant 2048 : i32
    %add3A_554 = arith.addi %mul3A_550, %add3A_553 : i32
    "tpu.region"() ({
      %run_scoped3A = tpu.sem_alloc : memref<!tpu.dma_semaphore, #tpu.memory_space<semaphore_mem>>
      %dma_start3A = tpu.memref_slice %arg4[%add3A_554] : memref<98304xf32, #tpu.memory_space<hbm>> -> memref<1024xf32, #tpu.memory_space<hbm>>
      %dma_start3A_555 = tpu.memref_slice %arg4[%add3A_554] : memref<98304xf32, #tpu.memory_space<hbm>> -> memref<1024xf32, #tpu.memory_space<hbm>>
      tpu.enqueue_dma source(%arg9 : memref<1024xf32, #tpu.memory_space<vmem>>) target(%dma_start3A_555 : memref<1024xf32, #tpu.memory_space<hbm>>) target_semaphore(%run_scoped3A : memref<!tpu.dma_semaphore, #tpu.memory_space<semaphore_mem>>)
      %dma_wait3A = tpu.memref_slice %arg4[%add3A_554] : memref<98304xf32, #tpu.memory_space<hbm>> -> memref<1024xf32, #tpu.memory_space<hbm>>
      %dma_wait3A_556 = tpu.memref_slice %arg4[%add3A_554] : memref<98304xf32, #tpu.memory_space<hbm>> -> memref<1024xf32, #tpu.memory_space<hbm>>
      tpu.wait_dma2 semaphore(%run_scoped3A : memref<!tpu.dma_semaphore, #tpu.memory_space<semaphore_mem>>) src(%arg9 : memref<1024xf32, #tpu.memory_space<vmem>>) dst(%dma_wait3A_556 : memref<1024xf32, #tpu.memory_space<hbm>>)
      tpu.yield
    }) : () -> ()
    return
  }
}

module attributes {stable_mosaic.version = 14 : i64} {
  func.func @_f1_body(%arg0: memref<32x3x1024xf32, #tpu.memory_space<vmem>>, %arg1: memref<1x1xf32, #tpu.memory_space<smem>>) attributes {dimension_semantics = [], scalar_prefetch = 0 : i64, scratch_operands = 0 : i64, tpu.core_type = #tpu.core_type<tc>} {
    %get3A = arith.constant 0 : index
    %get3A_0 = arith.constant 0 : index
    %get3A_1 = arith.constant 0 : index
    %get3A_2 = vector.load %arg0[%get3A, %get3A_0, %get3A_1] : memref<32x3x1024xf32, #tpu.memory_space<vmem>>, vector<32x3x1024xf32>
    %reduce_sum3A = arith.constant dense<0.000000e+00> : vector<3x1024xf32>
    %reduce_sum3A_3 = vector.multi_reduction <add>, %get3A_2, %reduce_sum3A [0] : vector<32x3x1024xf32> to vector<3x1024xf32>
    %slice3A = vector.extract_strided_slice %reduce_sum3A_3 {offsets = [0, 0], sizes = [1, 1024], strides = [1, 1]} : vector<3x1024xf32> to vector<1x1024xf32>
    %slice3A_4 = vector.extract_strided_slice %reduce_sum3A_3 {offsets = [1, 0], sizes = [1, 1024], strides = [1, 1]} : vector<3x1024xf32> to vector<1x1024xf32>
    %slice3A_5 = vector.extract_strided_slice %reduce_sum3A_3 {offsets = [2, 0], sizes = [1, 1024], strides = [1, 1]} : vector<3x1024xf32> to vector<1x1024xf32>
    %add3A = arith.constant 9.99999996E-13 : f32
    %add3A_6 = vector.broadcast %add3A : f32 to vector<1x1024xf32>
    %add3A_7 = arith.addf %slice3A_4, %add3A_6 : vector<1x1024xf32>
    %div3A = arith.divf %slice3A_5, %add3A_7 : vector<1x1024xf32>
    %add3A_8 = arith.constant 9.99999996E-13 : f32
    %add3A_9 = vector.broadcast %add3A_8 : f32 to vector<1x1024xf32>
    %add3A_10 = arith.addf %slice3A, %add3A_9 : vector<1x1024xf32>
    %div3A_11 = arith.divf %slice3A_5, %add3A_10 : vector<1x1024xf32>
    %mul3A = arith.mulf %div3A_11, %div3A : vector<1x1024xf32>
    %mul3A_12 = arith.constant 2.000000e+00 : f32
    %mul3A_13 = vector.broadcast %mul3A_12 : f32 to vector<1x1024xf32>
    %mul3A_14 = arith.mulf %mul3A_13, %mul3A : vector<1x1024xf32>
    %add3A_15 = arith.addf %div3A_11, %div3A : vector<1x1024xf32>
    %add3A_16 = arith.constant 9.99999996E-13 : f32
    %add3A_17 = vector.broadcast %add3A_16 : f32 to vector<1x1024xf32>
    %add3A_18 = arith.addf %add3A_15, %add3A_17 : vector<1x1024xf32>
    %div3A_19 = arith.divf %mul3A_14, %add3A_18 : vector<1x1024xf32>
    %reduce_sum3A_20 = vector.shape_cast %div3A_19 : vector<1x1024xf32> to vector<1x1x1024xf32>
    %reduce_sum3A_21 = arith.constant dense<0.000000e+00> : vector<1xf32>
    %reduce_sum3A_22 = vector.multi_reduction <add>, %reduce_sum3A_20, %reduce_sum3A_21 [1, 2] : vector<1x1x1024xf32> to vector<1xf32>
    %reduce_sum3A_23 = vector.shape_cast %reduce_sum3A_22 : vector<1xf32> to vector<1x1x1xf32>
    %reduce_sum3A_24 = vector.extract %reduce_sum3A_23[0, 0, 0] : f32 from vector<1x1x1xf32>
    %div3A_25 = arith.constant 1.000000e+03 : f32
    %div3A_26 = arith.divf %reduce_sum3A_24, %div3A_25 : f32
    %swap3A = arith.constant 0 : index
    %swap3A_27 = arith.constant 0 : index
    %swap3A_28 = memref.load %arg1[%swap3A, %swap3A_27] : memref<1x1xf32, #tpu.memory_space<smem>>
    memref.store %div3A_26, %arg1[%swap3A, %swap3A_27] : memref<1x1xf32, #tpu.memory_space<smem>>
    return
  }
}

module attributes {stable_mosaic.version = 14 : i64} {
  func.func @_argmax_body(%arg0: i32, %arg1: memref<2048x1000xf32, #tpu.memory_space<vmem>>, %arg2: memref<2048xi32, #tpu.memory_space<vmem>>) attributes {dimension_semantics = [#tpu.dimension_semantics<arbitrary>], iteration_bounds = array<i64: 8>, scalar_prefetch = 0 : i64, scratch_operands = 0 : i64, tpu.core_type = #tpu.core_type<tc>, window_params = [{transform_indices = @transform_0, window_bounds = array<i64: 2048, 1000>}, {transform_indices = @transform_1, window_bounds = array<i64: 2048>}]} {
    %get3A = arith.constant 0 : index
    %get3A_0 = arith.constant 0 : index
    %get3A_1 = vector.load %arg1[%get3A, %get3A_0] : memref<2048x1000xf32, #tpu.memory_space<vmem>>, vector<2048x1000xf32>
    %reduce_max3A = arith.constant dense<0xFF800000> : vector<2048xf32>
    %reduce_max3A_2 = vector.multi_reduction <maximumf>, %get3A_1, %reduce_max3A [1] : vector<2048x1000xf32> to vector<2048xf32>
    %broadcast_in_dim3A = vector.shape_cast %reduce_max3A_2 : vector<2048xf32> to vector<2048x1xf32>
    %iota3A = tpu.iota {dimensions = array<i32: 1>} : vector<2048x1000xi32>
    %eq3A = vector.broadcast %broadcast_in_dim3A : vector<2048x1xf32> to vector<2048x1000xf32>
    %eq3A_3 = arith.cmpf oeq, %get3A_1, %eq3A : vector<2048x1000xf32>
    %jit3A = arith.constant 1000 : i32
    %broadcast_in_dim3A_4 = vector.broadcast %jit3A : i32 to vector<2048x1000xi32>
    %select_n3A = arith.select %eq3A_3, %iota3A, %broadcast_in_dim3A_4 : vector<2048x1000xi1>, vector<2048x1000xi32>
    %reduce_min3A = arith.constant dense<2147483647> : vector<2048xi32>
    %reduce_min3A_5 = vector.multi_reduction <minsi>, %select_n3A, %reduce_min3A [1] : vector<2048x1000xi32> to vector<2048xi32>
    %swap3A = arith.constant 0 : index
    %swap3A_6 = vector.load %arg2[%swap3A] : memref<2048xi32, #tpu.memory_space<vmem>>, vector<2048xi32>
    tpu.vector_store %arg2[%swap3A], %reduce_min3A_5 {strides = array<i32>} : memref<2048xi32, #tpu.memory_space<vmem>>, vector<2048xi32>,
    return
  }
  func.func @transform_0(%arg0: i32) -> (i32, i32) {
    %c0_i32 = arith.constant 0 : i32
    %c0_i32_0 = arith.constant 0 : i32
    return %arg0, %c0_i32 : i32, i32
  }
  func.func @transform_1(%arg0: i32) -> i32 {
    %c0_i32 = arith.constant 0 : i32
    return %arg0 : i32
  }
}

</mosaic_0001>

<sc_bundles>
// kernel: kernel.5.cloned.1.call-start
scs
__scs_entry_jumppad:
0x0: {  	(pc) =	sbr.rel $0x88, $3  }
0x1: {  	(tag) =	ssettag $0x0;
	lr =	simm.s32 $0x1  }
0x2: {  	[smem:$0x3F9F] =	sst lr;
	_ =	strace $0xD0000000  }
0x3: {  	_ = 	snop  }
0x4: {  	_ = 	snop  }
0x5: {  	_ = 	snop  }
0x6: {  	_ = 	snop  }
0x7: {  	_ = 	snop  }
__scs_overlays_trampoline_lowered:
0x8: {  	[smem:$0x3FAE] =	sst s0  }
0x9: {  	[smem:$0x3FAF] =	sst s1  }
0xa: {  	[smem:$0x3FB0] =	sst s2  }
0xb: {  	[smem:$0x3FB1] =	sst s3  }
0xc: {  	[smem:$0x3FB2] =	sst s4  }
0xd: {  	[smem:$0x3FB3] =	sst s5  }
0xe: {  	[smem:$0x3FB4] =	sst s6  }
0xf: {  	[smem:$0x3FB5] =	sst s7  }
0x10: {  	[smem:$0x3FB6] =	sst s8  }
0x11: {  	[smem:$0x3FB7] =	sst s9;
	s0 =	simm.s32 @!p0 $0x0  }
0x12: {  	s1 =	sld [smem:$0x3F9D];
	s0 =	simm.s32 @p0 $0x1  }
0x13: {  	[smem:$0x3FB8] =	sst s0;
	s0 =	simm.s32 @!p1 $0x0  }
0x14: {  	s2 =	sld [smem:$0x3F9C];
	s0 =	simm.s32 @p1 $0x1  }
0x15: {  	[smem:$0x3FB9] =	sst s0;
	s0 =	simm.s32 @!p2 $0x0  }
0x16: {  	s3 =	sld [smem:$0x3FDB];
	s0 =	simm.s32 @p2 $0x1  }
0x17: {  	s4 =	simm.s32 $0x1BF5;
	[smem:$0x3FBB] =	sst s0  }
0x18: {  	s0 =	sld [smem:$0x3F9E];
	_ =	swait.ge [sflag:s4], $0x0  }
0x19: {  	s7 =	sld [smem:$0x3F9F]  }
0x1a: {  	s8 =	sadd.s32 $0xFFFFE003, lr  }
0x1b: {  	s9 =	sadd.s32 $0xFFFFFEF7, lr;
	s5 =	simm.s32 $0xFFFFFFFF;
	p2 =	slt.u32 s8, $0xFFFFF086  }
0x1c: {  	p1 =	slt.u32 s9, $0xF7A;
	s5 =	simm.s32 @!p2 $0x0  }
0x1d: {  	s5 =	simm.s32 @p1 $0x1;
	p0 =	seq.s32 s7, s2  }
0x1e: {  	s7 =	smul.u32 @!p0 $0xF7A, s2;
	p2 =	seq.s32 @!p0 s5, $0x0  }
0x1f: {  	s9 =	smul.u32 $0xF7A, s1;
	s8 =	simm.s32 @!p0 $0x1BF5;
	p2 =	por !p2, p0  }
0x20: {  	[sflag:s8] =	ssyncset.s32 @!p0 $0xFFFFF086;
	s6 =	sadd.s32 @!p0 s3, s7;
	s7 =	simm.s32 @!p0 $0x108  }
0x21: {  	s3 =	sadd.s32 s3, s9;
	s6 =	sadd.s32 @!p0 $0x88, s6;
	s7 =	simm.s32 @p2 $0x1082  }
0x22: {  	[simem:s7], [sflag:s8] =	dma.local @!p0 [hbm:s6], $0xF7A  }
0x23: {  	s9 =	sor.u32 $0xD0000000, s2;
	s6 =	simm.s32 $0x108;
	_ =	swait.ge @!p0 [sflag:s8], $0x0  }
0x24: {  	s3 =	sadd.s32 $0x88, s3;
	s6 =	simm.s32 @!p1 $0x1082;
	[sflag:s4] =	ssyncset.s32 $0xFFFFF086  }
0x25: {  	[simem:s6], [sflag:s4] =	dma.local [hbm:s3], $0xF7A  }
0x26: {  	[smem:$0x3F9F] =	sst s1;
	(tag) =	ssettag s2;
	_ =	strace s9  }
0x27: {  	s1 =	sld [smem:$0x3FAF]  }
0x28: {  	s2 =	sld [smem:$0x3FB0]  }
0x29: {  	s4 =	sld [smem:$0x3FB2]  }
0x2a: {  	p0 =	seq.s32 s5, $0x0;
	s5 =	sld [smem:$0x3FB3]  }
0x2b: {  	s6 =	sld [smem:$0x3FB4]  }
0x2c: {  	s7 =	sld [smem:$0x3FB5]  }
0x2d: {  	s3 =	simm.s32 $0x108;
	s8 =	sld [smem:$0x3FB6]  }
0x2e: {  	s3 =	simm.s32 @!p0 $0x1082;
	s9 =	sld [smem:$0x3FB7]  }
0x2f: {  	lr =	sadd.s32 s0, s3;
	s0 =	sld [smem:$0x3FAE]  }
0x30: {  	s3 =	sld [smem:$0x3FB1]  }
0x31: {  	[smem:$0x3FBA] =	sst s10  }
0x32: {  	s10 =	sld [smem:$0x3FB8];
	_ =	sdelay $0x3  }
0x33: {  	p0 =	seq.s32 s10, $0x1;
	s10 =	sld [smem:$0x3FBA];
	_ =	sdelay $0x3  }
0x34: {  	[smem:$0x3FBA] =	sst s10  }
0x35: {  	s10 =	sld [smem:$0x3FB9];
	_ =	sdelay $0x3  }
0x36: {  	p1 =	seq.s32 s10, $0x1;
	s10 =	sld [smem:$0x3FBA];
	_ =	sdelay $0x3  }
0x37: {  	[smem:$0x3FBA] =	sst s10  }
0x38: {  	s10 =	sld [smem:$0x3FBB]  }
0x39: {  	_ = 	snop;
	(pc) =	sbr.ind lr, $3  }
0x3a: {  	_ = 	snop  }
0x3b: {  	_ = 	snop  }
0x3c: {  	p2 =	seq.s32 s10, $0x1;
	s10 =	sld [smem:$0x3FBA]  }
0x3d: {  	_ =	shalt  }
0x3e: {  	_ =	shalt  }
0x3f: {  	_ =	shalt  }
0x40: {  	_ =	shalt  }
0x41: {  	_ =	shalt  }
0x42: {  	_ =	shalt  }
0x43: {  	_ =	shalt  }
0x44: {  	_ =	shalt  }
0x45: {  	_ =	shalt  }
0x46: {  	_ =	shalt  }
0x47: {  	_ =	shalt  }
0x48: {  	_ =	shalt  }
0x49: {  	_ =	shalt  }
0x4a: {  	_ =	shalt  }
0x4b: {  	_ =	shalt  }
0x4c: {  	_ =	shalt  }
0x4d: {  	_ =	shalt  }
0x4e: {  	_ =	shalt  }
0x4f: {  	_ =	shalt  }
0x50: {  	_ =	shalt  }
0x51: {  	_ =	shalt  }
0x52: {  	_ =	shalt  }
0x53: {  	_ =	shalt  }
0x54: {  	_ =	shalt  }
0x55: {  	_ =	shalt  }
0x56: {  	_ =	shalt  }
0x57: {  	_ =	shalt  }
0x58: {  	_ =	shalt  }
0x59: {  	_ =	shalt  }
0x5a: {  	_ =	shalt  }
0x5b: {  	_ =	shalt  }
0x5c: {  	_ =	shalt  }
0x5d: {  	_ =	shalt  }
0x5e: {  	_ =	shalt  }
0x5f: {  	_ =	shalt  }
0x60: {  	_ =	shalt  }
0x61: {  	_ =	shalt  }
0x62: {  	_ =	shalt  }
0x63: {  	_ =	shalt  }
0x64: {  	_ =	shalt  }
0x65: {  	_ =	shalt  }
0x66: {  	_ =	shalt  }
0x67: {  	_ =	shalt  }
0x68: {  	_ =	shalt  }
0x69: {  	_ =	shalt  }
0x6a: {  	_ =	shalt  }
0x6b: {  	_ =	shalt  }
0x6c: {  	_ =	shalt  }
0x6d: {  	_ =	shalt  }
0x6e: {  	_ =	shalt  }
0x6f: {  	_ =	shalt  }
0x70: {  	_ =	shalt  }
0x71: {  	_ =	shalt  }
0x72: {  	_ =	shalt  }
0x73: {  	_ =	shalt  }
0x74: {  	_ =	shalt  }
0x75: {  	_ =	shalt  }
0x76: {  	_ =	shalt  }
0x77: {  	_ =	shalt  }
0x78: {  	_ =	shalt  }
0x79: {  	_ =	shalt  }
0x7a: {  	_ =	shalt  }
0x7b: {  	_ =	shalt  }
0x7c: {  	_ =	shalt  }
0x7d: {  	_ =	shalt  }
0x7e: {  	_ =	shalt  }
0x7f: {  	_ =	shalt  }
0x80: {  	_ =	shalt  }
0x81: {  	_ =	shalt  }
0x82: {  	_ =	shalt  }
0x83: {  	_ =	shalt  }
0x84: {  	_ =	shalt  }
0x85: {  	_ =	shalt  }
0x86: {  	_ =	shalt  }
0x87: {  	_ =	shalt  }
.Lfunc_end0:
.L_simem_size_0:
called_computation_lowered:
.L_overlay_start_0:
0x88: {  	s2 =	sld [smem:$0x3FD9]  }
0x89: {  	s3 =	sld [smem:$0x3FFE];
	_ =	sdelay $0x1  }
0x8a: {  	s1 =	srdreg.scid  }
0x8b: {  	s0 =	sand.u32 $0x1, s1  }
0x8c: {  	s17 =	sshll.u32 s0, $0xA;
	s2 =	sadd.s32 s3, s2  }
0x8d: {  	s2 =	sadd.s32 s2, s17  }
0x8e: {  	[smem:$0x3FC6] =	sst s2  }
0x8f: {  	_ = 	snop  }
0x90: {  	s2 =	sld [smem:$0x3FC8];
	(tm) =	ssettm $0x1  }
0x91: {  	s18 =	sld [smem:$0x3FFB];
	_ =	sdelay $0x3  }
0x92: {  	_ =	strace s18  }
0x93: {  	s3 =	sld [smem:$0x3FFC];
	_ =	sdelay $0x3  }
0x94: {  	_ =	strace s3  }
0x95: {  	s3 =	sld [smem:$0x3FFD];
	_ =	sdelay $0x3  }
0x96: {  	_ =	strace s3  }
0x97: {  	_ =	strace $0x8FFFFFFF  }
0x98: {  	s19 =	sld [smem:$0x3FDB];
	_ =	sdelay $0x1  }
0x99: {  	s4 =	simm.s32 $_scs_section_size  }
0x9a: {  	s5 =	simm.s32 $_size__tile_overlayer_lowered;
	s6 =	simm.s32 $_tile_overlayer_lowered  }
0x9b: {  	s22 =	simm.s32 $0x1BFF;
	s21 =	sshll.u32 s6, $0x1;
	s3 =	sadd.s32 s4, s19  }
0x9c: {  	s7 =	simm.s32 $0x0;
	s20 =	sshll.u32 s5, $0x1;
	s5 =	sadd.s32 s21, s3  }
0x9d: {  	[timem:s7], [sflag:s22] =	dma.local [hbm:s5], s20  }
0x9e: {  	_ =	swait.ge [sflag:s22], s20  }
0x9f: {  	s4 =	ssub.s32 $0x0, s20;
	[sflag:s22] =	ssyncset.done $0x0  }
0xa0: {  	[sflag:s22] =	ssyncadd.s32 s4;
	_ =	sdelay $0x1  }
0xa1: {  	s23 =	simm.s32 $0x1B8B  }
0xa2: {  	_ =	swait.ge [sflag:s23], $0x1  }
0xa3: {  	[sflag:s23] =	ssyncset.done $0x0  }
0xa4: {  	s25 =	simm.s32 $0x1B8E;
	s24 =	sld [smem:$0x3FFE];
	[sflag:s23] =	ssyncadd.s32 $0xFFFFFFFF  }
0xa5: {  	s26 =	simm.s32 $execute0_lowered;
	[smem:$0x3FD2] =	sst s25  }
0xa6: {  	s5 =	sshll.u32 s26, $0x1;
	_ =	strace $0x80000046;
	[dreg:$0x1] =	wrdreg $0xFFFFFFFF  }
0xa7: {  	s28 =	simm.s32 $_size_execute0_lowered;
	s3 =	sadd.s32 s3, s5;
	[dreg:$0x0] =	wrdreg $0x0  }
0xa8: {  	s5 =	sshll.u32 s28, $0x1;
	[dreg:$0x2] =	wrdreg s3  }
0xa9: {  	[dreg:$0x3] =	wrdreg s5  }
0xaa: {  	[dreg:$0x4] =	wrdreg $0xC0  }
0xab: {  	_ =	task [dreg:s7], $0x5FFFF  }
0xac: {  	[dreg:$0x1] =	wrdreg $0xFFFFFFFF  }
0xad: {  	[dreg:$0x0] =	wrdreg $0x60  }
0xae: {  	[dreg:$0x2] =	wrdreg s24  }
0xaf: {  	[dreg:$0x3] =	wrdreg s2  }
0xb0: {  	[dreg:$0x4] =	wrdreg $0x9  }
0xb1: {  	_ =	task.clear_ibuf [dreg:s7], $0x5FFFF;
	_ =	strace $0x90000046  }
0xb2: {  	s29 =	simm.s32 $0x9;
	_ =	strace $0x80000048  }
0xb3: {  	_ =	swait.ge [sflag:s29], $0x1  }
0xb4: {  	[sflag:s29] =	ssyncadd.s32 $0xFFFFFFFF  }
0xb5: {  	_ =	strace $0x90000048  }
0xb6: {  	_ =	sfence  }
0xb7: {  	s30 =	sld [smem:$0x0];
	_ =	sdelay $0x2  }
0xb8: {  	s31 =	sshll.u32 s1, $0xD;
	s1 =	sshrl.u32 s1, $0x2  }
0xb9: {  	s3 =	sand.u32 $0x4000, s31;
	s1 =	sadd.s32 s1, s30  }
0xba: {  	s0 =	sor.u32 s3, s0;
	s1 =	sshll.u32 s1, $0x11  }
0xbb: {  	s0 =	sor.u32 s1, s0  }
0xbc: {  	s0 =	sadd.s32 $0x8F2B, s0  }
0xbd: {  	[sflag:s0] =	ssyncadd.remote.s32 $0x1  }
0xbe: {  	_ =	sfence.sel $0xFFFF  }
0xbf: {  	[dreg:$0x0] =	wrdreg $0xFFFFFFFF;
	(pc) =	sbr.abs _section_cstart, $3  }
0xc0: {  	[dreg:$0x1] =	wrdreg $0xFFFFFFFF  }
0xc1: {  	_ =	task.clear_ibuf [dreg:s7], $0x2FFFF;
	_ =	strace $0x9FFFFFFF  }
0xc2: {  	(tm) =	ssettm $0x7FFFFFFF  }
0xc3: {  	_ =	shalt  }
tec
execute0_lowered:
.L_overlay_start_1:
0x0: {  	(tag) =	ssettag $0x1  }
0x1: {  	s3 =	rddreg [dreg:$0x0]  }
0x2: {  	s1 =	srdreg.scid;
	s0 =	stileid.u32  }
0x3: {  	s4 =	rddreg [dreg:$0x1];
	s2 =	simm.s32 $0x0;
	s10 =	simm.s32 $0x200  }
0x4: {  	s11 =	simm.s32 $0x800;
	s5 =	sand.u32 $0x1, s1;
	s6 =	sshll.u32 s0, $0x1  }
0x5: {  	s12 =	simm.s32 $0x400;
	s1 =	rddreg [dreg:$0x2];
	s6 =	sor.u32 s5, s6  }
0x6: {  	s13 =	simm.s32 $0xC00;
	[smem:$0x7FF] =	sst s2;
	s7 =	smul.u32 $0xC00, s6  }
0x7: {  	_ =	strace $0x80000047;
	s5 =	ssub.s32 $0x2, s5;
	s6 =	sshll.u32 s6, $0x6  }
0x8: {  	s31 =	sshrl.u32 s5, $0x1;
	s8 =	sadd.s32 s6, s3;
	s7 =	sshrl.u32 s7, $0x3  }
0x9: {  	s9 =	ssub.s32 s5, s31;
	s4 =	sadd.s32 s4, s6;
	s7 =	sadd.s32 s7, s3  }
0xa: {  	s3 =	sadd.s32 $0x600, s8;
	s8 =	smax.u32 s9, $0x1;
	s9 =	simm.s32 $0x1  }
0xb: {  	v0 =	vimm.f32 $0.0e+00;
	v1 =	vimm.f32 $1.000000000e+00;
	s5 =	sadd.s32 $0xE00, s7;
	s6 =	sadd.s32 $0xE80, s7;
	s7 =	sadd.s32 $0xF00, s7  }
.LBB2_1:
0xc: {  	[tilespmem:s2], [sflag:$0x1] =	stream.linear.gather [hbm4b:s3+s2], $0x200, $0x38;
	[tilespmem:$0x1000] =	vst v63  }
0xd: {  	_ =	swait.ge [sflag:s9], $0x200  }
0xe: {  	[sflag:s9] =	ssyncset.done $0x0  }
0xf: {  	[sflag:s9] =	ssyncadd.s32 $0xFFFFFE00  }
0x10: {  	[tilespmem:s10], [sflag:$0x1] =	stream.linear.gather [hbm4b:s4+s2], $0x200, $0x38;
	[tilespmem:$0x1000] =	vst v63  }
0x11: {  	_ =	swait.ge [sflag:s9], $0x200  }
0x12: {  	[sflag:s9] =	ssyncset.done $0x0  }
0x13: {  	[sflag:s9] =	ssyncadd.s32 $0xFFFFFE00  }
0x14: {  	[tilespmem:$0x400] =	vst v0  }
0x15: {  	[tilespmem:$0x800] =	vst v0  }
0x16: {  	[tilespmem:$0xC00] =	vst v0  }
0x17: {  	[tilespmem:$0x410] =	vst v0  }
0x18: {  	[tilespmem:$0x810] =	vst v0  }
0x19: {  	[tilespmem:$0xC10] =	vst v0  }
0x1a: {  	[tilespmem:$0x420] =	vst v0  }
0x1b: {  	[tilespmem:$0x820] =	vst v0  }
0x1c: {  	[tilespmem:$0xC20] =	vst v0  }
0x1d: {  	[tilespmem:$0x430] =	vst v0  }
0x1e: {  	[tilespmem:$0x830] =	vst v0  }
0x1f: {  	[tilespmem:$0xC30] =	vst v0  }
0x20: {  	[tilespmem:$0x440] =	vst v0  }
0x21: {  	[tilespmem:$0x840] =	vst v0  }
0x22: {  	[tilespmem:$0xC40] =	vst v0  }
0x23: {  	[tilespmem:$0x450] =	vst v0  }
0x24: {  	[tilespmem:$0x850] =	vst v0  }
0x25: {  	[tilespmem:$0xC50] =	vst v0  }
0x26: {  	[tilespmem:$0x460] =	vst v0  }
0x27: {  	[tilespmem:$0x860] =	vst v0  }
0x28: {  	[tilespmem:$0xC60] =	vst v0  }
0x29: {  	[tilespmem:$0x470] =	vst v0  }
0x2a: {  	[tilespmem:$0x870] =	vst v0  }
0x2b: {  	[tilespmem:$0xC70] =	vst v0  }
0x2c: {  	[tilespmem:$0x480] =	vst v0  }
0x2d: {  	[tilespmem:$0x880] =	vst v0  }
0x2e: {  	[tilespmem:$0xC80] =	vst v0  }
0x2f: {  	[tilespmem:$0x490] =	vst v0  }
0x30: {  	[tilespmem:$0x890] =	vst v0  }
0x31: {  	[tilespmem:$0xC90] =	vst v0  }
0x32: {  	[tilespmem:$0x4A0] =	vst v0  }
0x33: {  	[tilespmem:$0x8A0] =	vst v0  }
0x34: {  	[tilespmem:$0xCA0] =	vst v0  }
0x35: {  	[tilespmem:$0x4B0] =	vst v0  }
0x36: {  	[tilespmem:$0x8B0] =	vst v0  }
0x37: {  	[tilespmem:$0xCB0] =	vst v0  }
0x38: {  	[tilespmem:$0x4C0] =	vst v0  }
0x39: {  	[tilespmem:$0x8C0] =	vst v0  }
0x3a: {  	[tilespmem:$0xCC0] =	vst v0  }
0x3b: {  	[tilespmem:$0x4D0] =	vst v0  }
0x3c: {  	[tilespmem:$0x8D0] =	vst v0  }
0x3d: {  	[tilespmem:$0xCD0] =	vst v0  }
0x3e: {  	[tilespmem:$0x4E0] =	vst v0  }
0x3f: {  	[tilespmem:$0x8E0] =	vst v0  }
0x40: {  	[tilespmem:$0xCE0] =	vst v0  }
0x41: {  	[tilespmem:$0x4F0] =	vst v0  }
0x42: {  	[tilespmem:$0x8F0] =	vst v0  }
0x43: {  	[tilespmem:$0xCF0] =	vst v0  }
0x44: {  	[tilespmem:$0x500] =	vst v0  }
0x45: {  	[tilespmem:$0x900] =	vst v0  }
0x46: {  	[tilespmem:$0xD00] =	vst v0  }
0x47: {  	[tilespmem:$0x510] =	vst v0  }
0x48: {  	[tilespmem:$0x910] =	vst v0  }
0x49: {  	[tilespmem:$0xD10] =	vst v0  }
0x4a: {  	[tilespmem:$0x520] =	vst v0  }
0x4b: {  	[tilespmem:$0x920] =	vst v0  }
0x4c: {  	[tilespmem:$0xD20] =	vst v0  }
0x4d: {  	[tilespmem:$0x530] =	vst v0  }
0x4e: {  	[tilespmem:$0x930] =	vst v0  }
0x4f: {  	[tilespmem:$0xD30] =	vst v0  }
0x50: {  	[tilespmem:$0x540] =	vst v0  }
0x51: {  	[tilespmem:$0x940] =	vst v0  }
0x52: {  	[tilespmem:$0xD40] =	vst v0  }
0x53: {  	[tilespmem:$0x550] =	vst v0  }
0x54: {  	[tilespmem:$0x950] =	vst v0  }
0x55: {  	[tilespmem:$0xD50] =	vst v0  }
0x56: {  	[tilespmem:$0x560] =	vst v0  }
0x57: {  	[tilespmem:$0x960] =	vst v0  }
0x58: {  	[tilespmem:$0xD60] =	vst v0  }
0x59: {  	[tilespmem:$0x570] =	vst v0  }
0x5a: {  	[tilespmem:$0x970] =	vst v0  }
0x5b: {  	[tilespmem:$0xD70] =	vst v0  }
0x5c: {  	[tilespmem:$0x580] =	vst v0  }
0x5d: {  	[tilespmem:$0x980] =	vst v0  }
0x5e: {  	[tilespmem:$0xD80] =	vst v0  }
0x5f: {  	[tilespmem:$0x590] =	vst v0  }
0x60: {  	[tilespmem:$0x990] =	vst v0  }
0x61: {  	[tilespmem:$0xD90] =	vst v0  }
0x62: {  	[tilespmem:$0x5A0] =	vst v0  }
0x63: {  	[tilespmem:$0x9A0] =	vst v0  }
0x64: {  	[tilespmem:$0xDA0] =	vst v0  }
0x65: {  	[tilespmem:$0x5B0] =	vst v0  }
0x66: {  	[tilespmem:$0x9B0] =	vst v0  }
0x67: {  	[tilespmem:$0xDB0] =	vst v0  }
0x68: {  	[tilespmem:$0x5C0] =	vst v0  }
0x69: {  	[tilespmem:$0x9C0] =	vst v0  }
0x6a: {  	[tilespmem:$0xDC0] =	vst v0  }
0x6b: {  	[tilespmem:$0x5D0] =	vst v0  }
0x6c: {  	[tilespmem:$0x9D0] =	vst v0  }
0x6d: {  	[tilespmem:$0xDD0] =	vst v0  }
0x6e: {  	[tilespmem:$0x5E0] =	vst v0  }
0x6f: {  	[tilespmem:$0x9E0] =	vst v0  }
0x70: {  	[tilespmem:$0xDE0] =	vst v0  }
0x71: {  	[tilespmem:$0x5F0] =	vst v0  }
0x72: {  	[tilespmem:$0x9F0] =	vst v0  }
0x73: {  	[tilespmem:$0xDF0] =	vst v0  }
0x74: {  	[tilespmem:$0x600] =	vst v0  }
0x75: {  	[tilespmem:$0xA00] =	vst v0  }
0x76: {  	[tilespmem:$0xE00] =	vst v0  }
0x77: {  	[tilespmem:$0x610] =	vst v0  }
0x78: {  	[tilespmem:$0xA10] =	vst v0  }
0x79: {  	[tilespmem:$0xE10] =	vst v0  }
0x7a: {  	[tilespmem:$0x620] =	vst v0  }
0x7b: {  	[tilespmem:$0xA20] =	vst v0  }
0x7c: {  	[tilespmem:$0xE20] =	vst v0  }
0x7d: {  	[tilespmem:$0x630] =	vst v0  }
0x7e: {  	[tilespmem:$0xA30] =	vst v0  }
0x7f: {  	[tilespmem:$0xE30] =	vst v0  }
0x80: {  	[tilespmem:$0x640] =	vst v0  }
0x81: {  	[tilespmem:$0xA40] =	vst v0  }
0x82: {  	[tilespmem:$0xE40] =	vst v0  }
0x83: {  	[tilespmem:$0x650] =	vst v0  }
0x84: {  	[tilespmem:$0xA50] =	vst v0  }
0x85: {  	[tilespmem:$0xE50] =	vst v0  }
0x86: {  	[tilespmem:$0x660] =	vst v0  }
0x87: {  	[tilespmem:$0xA60] =	vst v0  }
0x88: {  	[tilespmem:$0xE60] =	vst v0  }
0x89: {  	[tilespmem:$0x670] =	vst v0  }
0x8a: {  	[tilespmem:$0xA70] =	vst v0  }
0x8b: {  	[tilespmem:$0xE70] =	vst v0  }
0x8c: {  	[tilespmem:$0x680] =	vst v0  }
0x8d: {  	[tilespmem:$0xA80] =	vst v0  }
0x8e: {  	[tilespmem:$0xE80] =	vst v0  }
0x8f: {  	[tilespmem:$0x690] =	vst v0  }
0x90: {  	[tilespmem:$0xA90] =	vst v0  }
0x91: {  	[tilespmem:$0xE90] =	vst v0  }
0x92: {  	[tilespmem:$0x6A0] =	vst v0  }
0x93: {  	[tilespmem:$0xAA0] =	vst v0  }
0x94: {  	[tilespmem:$0xEA0] =	vst v0  }
0x95: {  	[tilespmem:$0x6B0] =	vst v0  }
0x96: {  	[tilespmem:$0xAB0] =	vst v0  }
0x97: {  	[tilespmem:$0xEB0] =	vst v0  }
0x98: {  	[tilespmem:$0x6C0] =	vst v0  }
0x99: {  	[tilespmem:$0xAC0] =	vst v0  }
0x9a: {  	[tilespmem:$0xEC0] =	vst v0  }
0x9b: {  	[tilespmem:$0x6D0] =	vst v0  }
0x9c: {  	[tilespmem:$0xAD0] =	vst v0  }
0x9d: {  	[tilespmem:$0xED0] =	vst v0  }
0x9e: {  	[tilespmem:$0x6E0] =	vst v0  }
0x9f: {  	[tilespmem:$0xAE0] =	vst v0  }
0xa0: {  	[tilespmem:$0xEE0] =	vst v0  }
0xa1: {  	[tilespmem:$0x6F0] =	vst v0  }
0xa2: {  	[tilespmem:$0xAF0] =	vst v0  }
0xa3: {  	[tilespmem:$0xEF0] =	vst v0  }
0xa4: {  	[tilespmem:$0x700] =	vst v0  }
0xa5: {  	[tilespmem:$0xB00] =	vst v0  }
0xa6: {  	[tilespmem:$0xF00] =	vst v0  }
0xa7: {  	[tilespmem:$0x710] =	vst v0  }
0xa8: {  	[tilespmem:$0xB10] =	vst v0  }
0xa9: {  	[tilespmem:$0xF10] =	vst v0  }
0xaa: {  	[tilespmem:$0x720] =	vst v0  }
0xab: {  	[tilespmem:$0xB20] =	vst v0  }
0xac: {  	[tilespmem:$0xF20] =	vst v0  }
0xad: {  	[tilespmem:$0x730] =	vst v0  }
0xae: {  	[tilespmem:$0xB30] =	vst v0  }
0xaf: {  	[tilespmem:$0xF30] =	vst v0  }
0xb0: {  	[tilespmem:$0x740] =	vst v0  }
0xb1: {  	[tilespmem:$0xB40] =	vst v0  }
0xb2: {  	[tilespmem:$0xF40] =	vst v0  }
0xb3: {  	[tilespmem:$0x750] =	vst v0  }
0xb4: {  	[tilespmem:$0xB50] =	vst v0  }
0xb5: {  	[tilespmem:$0xF50] =	vst v0  }
0xb6: {  	[tilespmem:$0x760] =	vst v0  }
0xb7: {  	[tilespmem:$0xB60] =	vst v0  }
0xb8: {  	[tilespmem:$0xF60] =	vst v0  }
0xb9: {  	[tilespmem:$0x770] =	vst v0  }
0xba: {  	[tilespmem:$0xB70] =	vst v0  }
0xbb: {  	[tilespmem:$0xF70] =	vst v0  }
0xbc: {  	[tilespmem:$0x780] =	vst v0  }
0xbd: {  	[tilespmem:$0xB80] =	vst v0  }
0xbe: {  	[tilespmem:$0xF80] =	vst v0  }
0xbf: {  	[tilespmem:$0x790] =	vst v0  }
0xc0: {  	[tilespmem:$0xB90] =	vst v0  }
0xc1: {  	[tilespmem:$0xF90] =	vst v0  }
0xc2: {  	[tilespmem:$0x7A0] =	vst v0  }
0xc3: {  	[tilespmem:$0xBA0] =	vst v0  }
0xc4: {  	[tilespmem:$0xFA0] =	vst v0  }
0xc5: {  	[tilespmem:$0x7B0] =	vst v0  }
0xc6: {  	[tilespmem:$0xBB0] =	vst v0  }
0xc7: {  	[tilespmem:$0xFB0] =	vst v0  }
0xc8: {  	[tilespmem:$0x7C0] =	vst v0  }
0xc9: {  	[tilespmem:$0xBC0] =	vst v0  }
0xca: {  	[tilespmem:$0xFC0] =	vst v0;
	v2 =	vld [tilespmem:$0x0]  }
0xcb: {  	[tilespmem:$0x7D0] =	vst v0;
	v3 =	vld [tilespmem:$0x200]  }
0xcc: {  	[tilespmem:$0xBD0] =	vst v0  }
0xcd: {  	[tilespmem:$0xFD0] =	vst v0  }
0xce: {  	[tilespmem:$0x7E0] =	vst v0  }
0xcf: {  	[tilespmem:$0xBE0] =	vst v0  }
0xd0: {  	[tilespmem:$0xFE0] =	vst v0;
	vm0 =	veq.s32 v2, v3  }
0xd1: {  	[tilespmem:$0x7F0] =	vst v0  }
0xd2: {  	[tilespmem:$0xBF0] =	vst v0  }
0xd3: {  	[tilespmem:$0xFF0] =	vst v0  }
0xd4: {  	[tilespmem:v2+s11+$0x0] =	vst.idx.add.f32.msk $0xffff, v1  }
0xd5: {  	[tilespmem:v3+s12+$0x0] =	vst.idx.add.f32.msk $0xffff, v1  }
0xd6: {  	[tilespmem:v3+s13+$0x0] =	vst.idx.add.f32.msk vm0, v1  }
0xd7: {  	v2 =	vld [tilespmem:$0x10]  }
0xd8: {  	v3 =	vld [tilespmem:$0x210];
	_ =	sdelay $0x4  }
0xd9: {  	vm9 =	veq.s32 v2, v3;
	_ =	sdelay $0x3  }
0xda: {  	[tilespmem:v2+s11+$0x0] =	vst.idx.add.f32.msk $0xffff, v1  }
0xdb: {  	[tilespmem:v3+s12+$0x0] =	vst.idx.add.f32.msk $0xffff, v1  }
0xdc: {  	[tilespmem:v3+s13+$0x0] =	vst.idx.add.f32.msk vm9, v1  }
0xdd: {  	v2 =	vld [tilespmem:$0x20]  }
0xde: {  	v3 =	vld [tilespmem:$0x220];
	_ =	sdelay $0x4  }
0xdf: {  	vm10 =	veq.s32 v2, v3;
	_ =	sdelay $0x3  }
0xe0: {  	[tilespmem:v2+s11+$0x0] =	vst.idx.add.f32.msk $0xffff, v1  }
0xe1: {  	[tilespmem:v3+s12+$0x0] =	vst.idx.add.f32.msk $0xffff, v1  }
0xe2: {  	[tilespmem:v3+s13+$0x0] =	vst.idx.add.f32.msk vm10, v1  }
0xe3: {  	v2 =	vld [tilespmem:$0x30]  }
0xe4: {  	v3 =	vld [tilespmem:$0x230];
	_ =	sdelay $0x4  }
0xe5: {  	vm11 =	veq.s32 v2, v3;
	_ =	sdelay $0x3  }
0xe6: {  	[tilespmem:v2+s11+$0x0] =	vst.idx.add.f32.msk $0xffff, v1  }
0xe7: {  	[tilespmem:v3+s12+$0x0] =	vst.idx.add.f32.msk $0xffff, v1  }
0xe8: {  	[tilespmem:v3+s13+$0x0] =	vst.idx.add.f32.msk vm11, v1  }
0xe9: {  	v2 =	vld [tilespmem:$0x40]  }
0xea: {  	v3 =	vld [tilespmem:$0x240];
	_ =	sdelay $0x4  }
0xeb: {  	vm12 =	veq.s32 v2, v3;
	_ =	sdelay $0x3  }
0xec: {  	[tilespmem:v2+s11+$0x0] =	vst.idx.add.f32.msk $0xffff, v1  }
0xed: {  	[tilespmem:v3+s12+$0x0] =	vst.idx.add.f32.msk $0xffff, v1  }
0xee: {  	[tilespmem:v3+s13+$0x0] =	vst.idx.add.f32.msk vm12, v1  }
0xef: {  	v2 =	vld [tilespmem:$0x50]  }
0xf0: {  	v3 =	vld [tilespmem:$0x250];
	_ =	sdelay $0x4  }
0xf1: {  	vm13 =	veq.s32 v2, v3;
	_ =	sdelay $0x3  }
0xf2: {  	[tilespmem:v2+s11+$0x0] =	vst.idx.add.f32.msk $0xffff, v1  }
0xf3: {  	[tilespmem:v3+s12+$0x0] =	vst.idx.add.f32.msk $0xffff, v1  }
0xf4: {  	[tilespmem:v3+s13+$0x0] =	vst.idx.add.f32.msk vm13, v1  }
0xf5: {  	v2 =	vld [tilespmem:$0x60]  }
0xf6: {  	v3 =	vld [tilespmem:$0x260];
	_ =	sdelay $0x4  }
0xf7: {  	vm14 =	veq.s32 v2, v3;
	_ =	sdelay $0x3  }
0xf8: {  	[tilespmem:v2+s11+$0x0] =	vst.idx.add.f32.msk $0xffff, v1  }
0xf9: {  	[tilespmem:v3+s12+$0x0] =	vst.idx.add.f32.msk $0xffff, v1  }
0xfa: {  	[tilespmem:v3+s13+$0x0] =	vst.idx.add.f32.msk vm14, v1  }
0xfb: {  	v2 =	vld [tilespmem:$0x70]  }
0xfc: {  	v3 =	vld [tilespmem:$0x270];
	_ =	sdelay $0x4  }
0xfd: {  	vm15 =	veq.s32 v2, v3;
	_ =	sdelay $0x3  }
0xfe: {  	[tilespmem:v2+s11+$0x0] =	vst.idx.add.f32.msk $0xffff, v1  }
0xff: {  	[tilespmem:v3+s12+$0x0] =	vst.idx.add.f32.msk $0xffff, v1  }
0x100: {  	[tilespmem:v3+s13+$0x0] =	vst.idx.add.f32.msk vm15, v1  }
0x101: {  	v2 =	vld [tilespmem:$0x80]  }
0x102: {  	v3 =	vld [tilespmem:$0x280];
	_ =	sdelay $0x4  }
0x103: {  	vm4 =	veq.s32 v2, v3;
	_ =	sdelay $0x3  }
0x104: {  	[tilespmem:v2+s11+$0x0] =	vst.idx.add.f32.msk $0xffff, v1  }
0x105: {  	[tilespmem:v3+s12+$0x0] =	vst.idx.add.f32.msk $0xffff, v1  }
0x106: {  	[tilespmem:v3+s13+$0x0] =	vst.idx.add.f32.msk vm4, v1  }
0x107: {  	v2 =	vld [tilespmem:$0x90]  }
0x108: {  	v3 =	vld [tilespmem:$0x290];
	_ =	sdelay $0x4  }
0x109: {  	vm5 =	veq.s32 v2, v3;
	_ =	sdelay $0x3  }
0x10a: {  	[tilespmem:v2+s11+$0x0] =	vst.idx.add.f32.msk $0xffff, v1  }
0x10b: {  	[tilespmem:v3+s12+$0x0] =	vst.idx.add.f32.msk $0xffff, v1  }
0x10c: {  	[tilespmem:v3+s13+$0x0] =	vst.idx.add.f32.msk vm5, v1  }
0x10d: {  	v2 =	vld [tilespmem:$0xA0]  }
0x10e: {  	v3 =	vld [tilespmem:$0x2A0];
	_ =	sdelay $0x4  }
0x10f: {  	vm6 =	veq.s32 v2, v3;
	_ =	sdelay $0x3  }
0x110: {  	[tilespmem:v2+s11+$0x0] =	vst.idx.add.f32.msk $0xffff, v1  }
0x111: {  	[tilespmem:v3+s12+$0x0] =	vst.idx.add.f32.msk $0xffff, v1  }
0x112: {  	[tilespmem:v3+s13+$0x0] =	vst.idx.add.f32.msk vm6, v1  }
0x113: {  	v2 =	vld [tilespmem:$0xB0]  }
0x114: {  	v3 =	vld [tilespmem:$0x2B0];
	_ =	sdelay $0x4  }
0x115: {  	vm7 =	veq.s32 v2, v3;
	_ =	sdelay $0x3  }
0x116: {  	[tilespmem:v2+s11+$0x0] =	vst.idx.add.f32.msk $0xffff, v1  }
0x117: {  	[tilespmem:v3+s12+$0x0] =	vst.idx.add.f32.msk $0xffff, v1  }
0x118: {  	[tilespmem:v3+s13+$0x0] =	vst.idx.add.f32.msk vm7, v1  }
0x119: {  	v2 =	vld [tilespmem:$0xC0]  }
0x11a: {  	v3 =	vld [tilespmem:$0x2C0];
	_ =	sdelay $0x4  }
0x11b: {  	vm8 =	veq.s32 v2, v3;
	_ =	sdelay $0x3  }
0x11c: {  	[tilespmem:v2+s11+$0x0] =	vst.idx.add.f32.msk $0xffff, v1  }
0x11d: {  	[tilespmem:v3+s12+$0x0] =	vst.idx.add.f32.msk $0xffff, v1  }
0x11e: {  	[tilespmem:v3+s13+$0x0] =	vst.idx.add.f32.msk vm8, v1  }
0x11f: {  	v2 =	vld [tilespmem:$0xD0]  }
0x120: {  	v3 =	vld [tilespmem:$0x2D0];
	_ =	sdelay $0x4  }
0x121: {  	vm9 =	veq.s32 v2, v3;
	_ =	sdelay $0x3  }
0x122: {  	[tilespmem:v2+s11+$0x0] =	vst.idx.add.f32.msk $0xffff, v1  }
0x123: {  	[tilespmem:v3+s12+$0x0] =	vst.idx.add.f32.msk $0xffff, v1  }
0x124: {  	[tilespmem:v3+s13+$0x0] =	vst.idx.add.f32.msk vm9, v1  }
0x125: {  	v2 =	vld [tilespmem:$0xE0]  }
0x126: {  	v3 =	vld [tilespmem:$0x2E0];
	_ =	sdelay $0x4  }
0x127: {  	vm10 =	veq.s32 v2, v3;
	_ =	sdelay $0x3  }
0x128: {  	[tilespmem:v2+s11+$0x0] =	vst.idx.add.f32.msk $0xffff, v1  }
0x129: {  	[tilespmem:v3+s12+$0x0] =	vst.idx.add.f32.msk $0xffff, v1  }
0x12a: {  	[tilespmem:v3+s13+$0x0] =	vst.idx.add.f32.msk vm10, v1  }
0x12b: {  	v2 =	vld [tilespmem:$0xF0]  }
0x12c: {  	v3 =	vld [tilespmem:$0x2F0];
	_ =	sdelay $0x4  }
0x12d: {  	vm11 =	veq.s32 v2, v3;
	_ =	sdelay $0x3  }
0x12e: {  	[tilespmem:v2+s11+$0x0] =	vst.idx.add.f32.msk $0xffff, v1  }
0x12f: {  	[tilespmem:v3+s12+$0x0] =	vst.idx.add.f32.msk $0xffff, v1  }
0x130: {  	[tilespmem:v3+s13+$0x0] =	vst.idx.add.f32.msk vm11, v1  }
0x131: {  	v2 =	vld [tilespmem:$0x100]  }
0x132: {  	v3 =	vld [tilespmem:$0x300];
	_ =	sdelay $0x4  }
0x133: {  	vm12 =	veq.s32 v2, v3;
	_ =	sdelay $0x3  }
0x134: {  	[tilespmem:v2+s11+$0x0] =	vst.idx.add.f32.msk $0xffff, v1  }
0x135: {  	[tilespmem:v3+s12+$0x0] =	vst.idx.add.f32.msk $0xffff, v1  }
0x136: {  	[tilespmem:v3+s13+$0x0] =	vst.idx.add.f32.msk vm12, v1  }
0x137: {  	v2 =	vld [tilespmem:$0x110]  }
0x138: {  	v3 =	vld [tilespmem:$0x310];
	_ =	sdelay $0x4  }
0x139: {  	vm13 =	veq.s32 v2, v3;
	_ =	sdelay $0x3  }
0x13a: {  	[tilespmem:v2+s11+$0x0] =	vst.idx.add.f32.msk $0xffff, v1  }
0x13b: {  	[tilespmem:v3+s12+$0x0] =	vst.idx.add.f32.msk $0xffff, v1  }
0x13c: {  	[tilespmem:v3+s13+$0x0] =	vst.idx.add.f32.msk vm13, v1  }
0x13d: {  	v2 =	vld [tilespmem:$0x120]  }
0x13e: {  	v3 =	vld [tilespmem:$0x320];
	_ =	sdelay $0x4  }
0x13f: {  	vm14 =	veq.s32 v2, v3;
	_ =	sdelay $0x3  }
0x140: {  	[tilespmem:v2+s11+$0x0] =	vst.idx.add.f32.msk $0xffff, v1  }
0x141: {  	[tilespmem:v3+s12+$0x0] =	vst.idx.add.f32.msk $0xffff, v1  }
0x142: {  	[tilespmem:v3+s13+$0x0] =	vst.idx.add.f32.msk vm14, v1  }
0x143: {  	v2 =	vld [tilespmem:$0x130]  }
0x144: {  	v3 =	vld [tilespmem:$0x330];
	_ =	sdelay $0x4  }
0x145: {  	vm15 =	veq.s32 v2, v3;
	_ =	sdelay $0x3  }
0x146: {  	[tilespmem:v2+s11+$0x0] =	vst.idx.add.f32.msk $0xffff, v1  }
0x147: {  	[tilespmem:v3+s12+$0x0] =	vst.idx.add.f32.msk $0xffff, v1  }
0x148: {  	[tilespmem:v3+s13+$0x0] =	vst.idx.add.f32.msk vm15, v1  }
0x149: {  	v2 =	vld [tilespmem:$0x140]  }
0x14a: {  	v3 =	vld [tilespmem:$0x340];
	_ =	sdelay $0x4  }
0x14b: {  	vm4 =	veq.s32 v2, v3;
	_ =	sdelay $0x3  }
0x14c: {  	[tilespmem:v2+s11+$0x0] =	vst.idx.add.f32.msk $0xffff, v1  }
0x14d: {  	[tilespmem:v3+s12+$0x0] =	vst.idx.add.f32.msk $0xffff, v1  }
0x14e: {  	[tilespmem:v3+s13+$0x0] =	vst.idx.add.f32.msk vm4, v1  }
0x14f: {  	v2 =	vld [tilespmem:$0x150]  }
0x150: {  	v3 =	vld [tilespmem:$0x350];
	_ =	sdelay $0x4  }
0x151: {  	vm5 =	veq.s32 v2, v3;
	_ =	sdelay $0x3  }
0x152: {  	[tilespmem:v2+s11+$0x0] =	vst.idx.add.f32.msk $0xffff, v1  }
0x153: {  	[tilespmem:v3+s12+$0x0] =	vst.idx.add.f32.msk $0xffff, v1  }
0x154: {  	[tilespmem:v3+s13+$0x0] =	vst.idx.add.f32.msk vm5, v1  }
0x155: {  	v2 =	vld [tilespmem:$0x160]  }
0x156: {  	v3 =	vld [tilespmem:$0x360];
	_ =	sdelay $0x4  }
0x157: {  	vm6 =	veq.s32 v2, v3;
	_ =	sdelay $0x3  }
0x158: {  	[tilespmem:v2+s11+$0x0] =	vst.idx.add.f32.msk $0xffff, v1  }
0x159: {  	[tilespmem:v3+s12+$0x0] =	vst.idx.add.f32.msk $0xffff, v1  }
0x15a: {  	[tilespmem:v3+s13+$0x0] =	vst.idx.add.f32.msk vm6, v1  }
0x15b: {  	v2 =	vld [tilespmem:$0x170]  }
0x15c: {  	v3 =	vld [tilespmem:$0x370];
	_ =	sdelay $0x4  }
0x15d: {  	vm7 =	veq.s32 v2, v3;
	_ =	sdelay $0x3  }
0x15e: {  	[tilespmem:v2+s11+$0x0] =	vst.idx.add.f32.msk $0xffff, v1  }
0x15f: {  	[tilespmem:v3+s12+$0x0] =	vst.idx.add.f32.msk $0xffff, v1  }
0x160: {  	[tilespmem:v3+s13+$0x0] =	vst.idx.add.f32.msk vm7, v1  }
0x161: {  	v2 =	vld [tilespmem:$0x180]  }
0x162: {  	v3 =	vld [tilespmem:$0x380];
	_ =	sdelay $0x4  }
0x163: {  	vm8 =	veq.s32 v2, v3;
	_ =	sdelay $0x3  }
0x164: {  	[tilespmem:v2+s11+$0x0] =	vst.idx.add.f32.msk $0xffff, v1  }
0x165: {  	[tilespmem:v3+s12+$0x0] =	vst.idx.add.f32.msk $0xffff, v1  }
0x166: {  	[tilespmem:v3+s13+$0x0] =	vst.idx.add.f32.msk vm8, v1  }
0x167: {  	v2 =	vld [tilespmem:$0x190]  }
0x168: {  	v3 =	vld [tilespmem:$0x390];
	_ =	sdelay $0x4  }
0x169: {  	vm9 =	veq.s32 v2, v3;
	_ =	sdelay $0x3  }
0x16a: {  	[tilespmem:v2+s11+$0x0] =	vst.idx.add.f32.msk $0xffff, v1  }
0x16b: {  	[tilespmem:v3+s12+$0x0] =	vst.idx.add.f32.msk $0xffff, v1  }
0x16c: {  	[tilespmem:v3+s13+$0x0] =	vst.idx.add.f32.msk vm9, v1  }
0x16d: {  	v2 =	vld [tilespmem:$0x1A0]  }
0x16e: {  	v3 =	vld [tilespmem:$0x3A0];
	_ =	sdelay $0x4  }
0x16f: {  	vm10 =	veq.s32 v2, v3;
	_ =	sdelay $0x3  }
0x170: {  	[tilespmem:v2+s11+$0x0] =	vst.idx.add.f32.msk $0xffff, v1  }
0x171: {  	[tilespmem:v3+s12+$0x0] =	vst.idx.add.f32.msk $0xffff, v1  }
0x172: {  	[tilespmem:v3+s13+$0x0] =	vst.idx.add.f32.msk vm10, v1  }
0x173: {  	v2 =	vld [tilespmem:$0x1B0]  }
0x174: {  	v3 =	vld [tilespmem:$0x3B0];
	_ =	sdelay $0x4  }
0x175: {  	vm11 =	veq.s32 v2, v3;
	_ =	sdelay $0x3  }
0x176: {  	[tilespmem:v2+s11+$0x0] =	vst.idx.add.f32.msk $0xffff, v1  }
0x177: {  	[tilespmem:v3+s12+$0x0] =	vst.idx.add.f32.msk $0xffff, v1  }
0x178: {  	[tilespmem:v3+s13+$0x0] =	vst.idx.add.f32.msk vm11, v1  }
0x179: {  	v2 =	vld [tilespmem:$0x1C0]  }
0x17a: {  	v3 =	vld [tilespmem:$0x3C0];
	_ =	sdelay $0x4  }
0x17b: {  	vm12 =	veq.s32 v2, v3;
	_ =	sdelay $0x3  }
0x17c: {  	[tilespmem:v2+s11+$0x0] =	vst.idx.add.f32.msk $0xffff, v1  }
0x17d: {  	[tilespmem:v3+s12+$0x0] =	vst.idx.add.f32.msk $0xffff, v1  }
0x17e: {  	[tilespmem:v3+s13+$0x0] =	vst.idx.add.f32.msk vm12, v1  }
0x17f: {  	v2 =	vld [tilespmem:$0x1D0]  }
0x180: {  	v3 =	vld [tilespmem:$0x3D0];
	_ =	sdelay $0x4  }
0x181: {  	vm13 =	veq.s32 v2, v3;
	_ =	sdelay $0x3  }
0x182: {  	[tilespmem:v2+s11+$0x0] =	vst.idx.add.f32.msk $0xffff, v1  }
0x183: {  	[tilespmem:v3+s12+$0x0] =	vst.idx.add.f32.msk $0xffff, v1  }
0x184: {  	[tilespmem:v3+s13+$0x0] =	vst.idx.add.f32.msk vm13, v1  }
0x185: {  	v2 =	vld [tilespmem:$0x1E0]  }
0x186: {  	v3 =	vld [tilespmem:$0x3E0];
	_ =	sdelay $0x4  }
0x187: {  	vm14 =	veq.s32 v2, v3;
	_ =	sdelay $0x3  }
0x188: {  	[tilespmem:v2+s11+$0x0] =	vst.idx.add.f32.msk $0xffff, v1  }
0x189: {  	[tilespmem:v3+s12+$0x0] =	vst.idx.add.f32.msk $0xffff, v1  }
0x18a: {  	[tilespmem:v3+s13+$0x0] =	vst.idx.add.f32.msk vm14, v1  }
0x18b: {  	v2 =	vld [tilespmem:$0x1F0]  }
0x18c: {  	v3 =	vld [tilespmem:$0x3F0];
	_ =	sdelay $0x4  }
0x18d: {  	vm15 =	veq.s32 v2, v3;
	_ =	sdelay $0x3  }
0x18e: {  	[tilespmem:v2+s11+$0x0] =	vst.idx.add.f32.msk $0xffff, v1  }
0x18f: {  	[tilespmem:v3+s12+$0x0] =	vst.idx.add.f32.msk $0xffff, v1  }
0x190: {  	[tilespmem:v3+s13+$0x0] =	vst.idx.add.f32.msk vm15, v1  }
0x191: {  	[hbm4b:s5+s2] =	stream.linear.scatter [tilespmem:s12], [sflag:$0x1], $0x400, $0x38;
	[tilespmem:$0x1000] =	vst v63  }
0x192: {  	_ =	swait.ge [sflag:s9], $0x400  }
0x193: {  	[sflag:s9] =	ssyncset.done $0x0  }
0x194: {  	[sflag:s9] =	ssyncadd.s32 $0xFFFFFC00  }
0x195: {  	[hbm4b:s6+s2] =	stream.linear.scatter [tilespmem:s11], [sflag:$0x1], $0x400, $0x38;
	[tilespmem:$0x1000] =	vst v63  }
0x196: {  	_ =	swait.ge [sflag:s9], $0x400  }
0x197: {  	p0 =	sne.s32 s8, $0x1;
	[sflag:s9] =	ssyncset.done $0x0  }
.Ltmp0:
0x198: {  	[sflag:s9] =	ssyncadd.s32 $0xFFFFFC00;
	(pc) =	sbr.rel @p0 .LBB2_1-.Ltmp0, $4  }
0x199: {  	[hbm4b:s7+s2] =	stream.linear.scatter [tilespmem:s13], [sflag:$0x1], $0x400, $0x38;
	[tilespmem:$0x1000] =	vst v63  }
0x19a: {  	_ =	swait.ge [sflag:s9], $0x400  }
0x19b: {  	[sflag:s9] =	ssyncset.done $0x0  }
0x19c: {  	s8 =	sadd.s32 $0xFFFFFFFF, s8;
	[sflag:s9] =	ssyncadd.s32 $0xFFFFFC00  }
0x19d: {  	_ =	sfence.sel $0x180000  }
0x19e: {  	[bflag:$0x0] =	sbarrier.arrive $0xFFFF  }
0x19f: {  	p0 =	sne.s32 s0, $0x0;
	_ =	strace $0x90000047  }
0x1a0: {  	s0 =	sadd.s32 @!p0 $0x100000, s1;
	[bflag:$0x2] =	sbarrier.arrive $0xFFFF  }
0x1a1: {  	[sflag:s0] =	ssyncadd.tile.s32 @!p0 $0x1;
	_ =	shalt  }
.Lfunc_end2:
_tile_overlayer_lowered:
.L_overlay_start_2:
0x1a2: {  	(tag) =	ssettag $0x2  }
0x1a3: {  	s0 =	rddreg [dreg:$0x0];
	s2 =	stileid.u32  }
0x1a4: {  	s1 =	rddreg [dreg:$0x1];
	p0 =	sne.s32 s2, $0x0  }
0x1a5: {  	s3 =	rddreg [dreg:$0x2];
	[bflag:$0x3] =	sbarrier.arrive $0xFFFF;
	s2 =	simm.s32 @!p0 $0x1C01  }
0x1a6: {  	[timem:s3], [sflag:s2] =	dma.local @!p0 [hbm:s0], s1  }
0x1a7: {  	s0 =	simm.s32 @!p0 $0x1  }
0x1a8: {  	_ =	swait.ge @!p0 [sflag:s0], s1  }
0x1a9: {  	s1 =	ssub.s32 @!p0 $0x0, s1;
	[sflag:s0] =	ssyncset.done @!p0 $0x0  }
0x1aa: {  	[sflag:s0] =	ssyncadd.s32 @!p0 s1  }
0x1ab: {  	[bflag:$0x3] =	sbarrier.arrive $0xFFFF  }
0x1ac: {  	_ =	shalt  }

</sc_bundles>
